<compile_context>
chip_gen: v7x
topology: tpu7x:2x2x1
jax: 0.10.2.dev20260603
libtpu: 0.0.44.dev20260713+nightly
codegen_flags: <defaults>
</compile_context>

<pallas_src>
import functools

import jax
import jax.numpy as jnp
from jax import lax
from jax.experimental import pallas as pl
from jax.experimental.pallas import tpu as pltpu
from jax.experimental.pallas import tpu_sc as plsc

N_NODES = 100000
N_ELEM = 128
ROWS = 80
CHUNK = ROWS * N_ELEM
N_CHUNKS = N_NODES // ROWS
NW = 32
N_BIG = N_CHUNKS - (N_CHUNKS // NW) * NW
N_ITERS = N_CHUNKS // NW + 1
NBUF = 4
GPC = ROWS // 16


def _onehot_body(types_hbm, out_hbm, buf0, buf1, buf2, buf3, types_v,
                 sem_t, sem0, sem1, sem2, sem3):
    wid = lax.axis_index("s") * 2 + lax.axis_index("c")
    bufs = (buf0, buf1, buf2, buf3)
    sems = (sem0, sem1, sem2, sem3)
    iota = lax.iota(jnp.int32, 16)
    ones = jnp.ones((16,), jnp.float32)
    zeros = jnp.zeros((16,), jnp.float32)

    big = wid < N_BIG
    start = jnp.where(big, N_ITERS * wid,
                      (N_ITERS - 1) * wid + N_BIG)
    count = jnp.where(big, N_ITERS, N_ITERS - 1)

    @pl.when(big)
    def _():
        pltpu.make_async_copy(
            types_hbm.at[pl.ds(start * ROWS, N_ITERS * ROWS)],
            types_v, sem_t,
        ).start()

    @pl.when(jnp.logical_not(big))
    def _():
        pltpu.make_async_copy(
            types_hbm.at[pl.ds(start * ROWS, (N_ITERS - 1) * ROWS)],
            types_v.at[pl.ds(0, (N_ITERS - 1) * ROWS)], sem_t,
        ).start()

    def zero_buf(buf):
        @pl.loop(0, CHUNK // 128)
        def _(j):
            base = j * 128
            for k in range(8):
                buf[pl.ds(base + 16 * k, 16)] = zeros

    def scatter(buf, i, vals):
        for j in range(GPC):
            tv = types_v[pl.ds(i * ROWS + 16 * j, 16)]
            idx = (16 * j + iota) * N_ELEM + tv
            plsc.store_scatter(buf, [idx], vals)

    def start_out(buf, sem, c):
        pltpu.make_async_copy(
            buf, out_hbm.at[pl.ds(c * CHUNK, CHUNK)], sem
        ).start()

    def wait_out(buf, sem):
        pltpu.make_async_copy(buf, out_hbm.at[pl.ds(0, CHUNK)], sem).wait()

    for b in range(NBUF):
        zero_buf(bufs[b])
        if b == 0:
            @pl.when(big)
            def _():
                pltpu.make_async_copy(
                    types_hbm.at[pl.ds(0, N_ITERS * ROWS)],
                    types_v, sem_t,
                ).wait()

            @pl.when(jnp.logical_not(big))
            def _():
                pltpu.make_async_copy(
                    types_hbm.at[pl.ds(0, (N_ITERS - 1) * ROWS)],
                    types_v.at[pl.ds(0, (N_ITERS - 1) * ROWS)], sem_t,
                ).wait()
        scatter(bufs[b], b, ones)
        start_out(bufs[b], sems[b], start + b)

    @pl.loop(NBUF, N_ITERS, step=NBUF)
    def _(i0):
        for b in range(NBUF):
            i = i0 + b
            wait_out(bufs[b], sems[b])
            scatter(bufs[b], i - NBUF, zeros)

            @pl.when(i < count)
            def _():
                scatter(bufs[b], i, ones)
                start_out(bufs[b], sems[b], start + i)

    for b in range(NBUF):
        @pl.when(N_ITERS - NBUF + b < count)
        def _():
            wait_out(bufs[b], sems[b])


@jax.jit
def _onehot_sc(atomic_types):
    mesh = plsc.VectorSubcoreMesh(core_axis_name="c", subcore_axis_name="s")
    f = functools.partial(
        pl.kernel,
        mesh=mesh,
        compiler_params=pltpu.CompilerParams(
            needs_layout_passes=False,
            use_tc_tiling_on_sc=False,
            disable_bounds_checks=True,
            disable_semaphore_checks=True,
        ),
        out_type=jax.ShapeDtypeStruct((N_NODES * N_ELEM,), jnp.float32),
        scratch_types=[
            pltpu.VMEM((CHUNK,), jnp.float32),
            pltpu.VMEM((CHUNK,), jnp.float32),
            pltpu.VMEM((CHUNK,), jnp.float32),
            pltpu.VMEM((CHUNK,), jnp.float32),
            pltpu.VMEM((N_ITERS * ROWS,), jnp.int32),
            pltpu.SemaphoreType.DMA,
            pltpu.SemaphoreType.DMA,
            pltpu.SemaphoreType.DMA,
            pltpu.SemaphoreType.DMA,
            pltpu.SemaphoreType.DMA,
        ],
    )(_onehot_body)
    return f(atomic_types)


def kernel(atomic_types, positions):
    del positions
    return _onehot_sc(atomic_types).reshape(N_NODES, N_ELEM)

# --- scband reference (transcript-rebuilt; emitter-appended) ---
"""Pipeline reference for scband-one-hot-atom-encoding-53815940219226 (READ-ONLY COPY).

The authoritative reference and input builder live on the scoring server;
editing this copy changes nothing except your own understanding.
"""

import jax, jax.numpy as jnp
import numpy as np

NUM_ELEMENTS = 128
N_NODES = 100000

def setup_inputs(seed: int = 0) -> dict:
    key = jax.random.key(seed)
    k1, k2 = jax.random.split(key)
    atomic_types = jax.random.randint(k1, (N_NODES,), 0, NUM_ELEMENTS, dtype=jnp.int64 if jax.config.jax_enable_x64 else jnp.int32).astype(jnp.int32)
    positions = jax.random.normal(k2, (N_NODES, 3), dtype=jnp.float32)
    return {"atomic_types": atomic_types, "positions": positions}

def reference(atomic_types, positions):
    # Faithful translation of OneHotAtomEncoding.forward:
    # onehot = F.one_hot(atomic_types, num_classes=num_elements).to(dtype=positions.dtype)
    # data[node_attr] = onehot; if set_features: data[node_feat] = onehot
    onehot = jax.nn.one_hot(atomic_types, NUM_ELEMENTS, dtype=positions.dtype)
    node_attr = onehot
    node_feat = onehot  # set_features=True -> node_feat is the same tensor
    return node_attr

if __name__ == "__main__":
    import jax
    _d = setup_inputs()
    print(jax.jit(kernel)(*tuple(_d.values())))

</pallas_src>

<mosaic_0001>
#map = affine_map<(d0, d1) -> (0)>
module attributes {stable_mosaic.version = 14 : i64} {
  func.func @_onehot_body(%arg0: i32, %arg1: i32, %arg2: memref<100000xi32, #tpu.memory_space<hbm>>, %arg3: memref<12800000xf32, #tpu.memory_space<hbm>>, %arg4: memref<10240xf32, #tpu.memory_space<vmem>>, %arg5: memref<10240xf32, #tpu.memory_space<vmem>>, %arg6: memref<10240xf32, #tpu.memory_space<vmem>>, %arg7: memref<10240xf32, #tpu.memory_space<vmem>>, %arg8: memref<3200xi32, #tpu.memory_space<vmem>>, %arg9: memref<!tpu.dma_semaphore, #tpu.memory_space<semaphore_mem>>, %arg10: memref<!tpu.dma_semaphore, #tpu.memory_space<semaphore_mem>>, %arg11: memref<!tpu.dma_semaphore, #tpu.memory_space<semaphore_mem>>, %arg12: memref<!tpu.dma_semaphore, #tpu.memory_space<semaphore_mem>>, %arg13: memref<!tpu.dma_semaphore, #tpu.memory_space<semaphore_mem>>) attributes {dimension_semantics = [#tpu.dimension_semantics<core_parallel>, #tpu.dimension_semantics<subcore_parallel>], iteration_bounds = array<i64: 2, 16>, scalar_prefetch = 0 : i64, scratch_operands = 10 : i64, tpu.core_type = #tpu.core_type<sc_vector_subcore>, window_params = [{transform_indices = #map}, {transform_indices = #map}]} {
    %mul3A = arith.constant 2 : i32
    %mul3A_0 = arith.muli %arg1, %mul3A : i32
    %add3A = arith.addi %mul3A_0, %arg0 : i32
    %iota3A = tpu.iota {dimensions = array<i32: 0>} : vector<16xi32>
    %broadcast_in_dim3A = arith.constant 1.000000e+00 : f32
    %broadcast_in_dim3A_1 = vector.broadcast %broadcast_in_dim3A : f32 to vector<16xf32>
    %broadcast_in_dim3A_2 = arith.constant 0.000000e+00 : f32
    %broadcast_in_dim3A_3 = vector.broadcast %broadcast_in_dim3A_2 : f32 to vector<16xf32>
    %lt3A = arith.constant 2 : i32
    %lt3A_4 = arith.cmpi slt, %add3A, %lt3A : i32
    %mul3A_5 = arith.constant 40 : i32
    %mul3A_6 = arith.muli %mul3A_5, %add3A : i32
    %mul3A_7 = arith.constant 39 : i32
    %mul3A_8 = arith.muli %mul3A_7, %add3A : i32
    %add3A_9 = arith.constant 2 : i32
    %add3A_10 = arith.addi %mul3A_8, %add3A_9 : i32
    %select_n3A = arith.select %lt3A_4, %mul3A_6, %add3A_10 : i32
    %jit3A = arith.constant 40 : i32
    %jit3A_11 = arith.constant 39 : i32
    %select_n3A_12 = arith.select %lt3A_4, %jit3A, %jit3A_11 : i32
    %convert_element_type3A = arith.extui %lt3A_4 : i1 to i32
    %cond3A = arith.constant 0 : i32
    %cond3A_13 = arith.cmpi ne, %convert_element_type3A, %cond3A : i32
    scf.if %cond3A_13 {
      %mul3A_271 = arith.constant 80 : i32
      %mul3A_272 = arith.muli %select_n3A, %mul3A_271 : i32
      %dma_start3A_273 = tpu.memref_slice %arg2[%mul3A_272] : memref<100000xi32, #tpu.memory_space<hbm>> -> memref<3200xi32, #tpu.memory_space<hbm>>
      %dma_start3A_274 = tpu.memref_slice %arg2[%mul3A_272] : memref<100000xi32, #tpu.memory_space<hbm>> -> memref<3200xi32, #tpu.memory_space<hbm>>
      tpu.enqueue_dma source(%dma_start3A_274 : memref<3200xi32, #tpu.memory_space<hbm>>) target(%arg8 : memref<3200xi32, #tpu.memory_space<vmem>>) target_semaphore(%arg9 : memref<!tpu.dma_semaphore, #tpu.memory_space<semaphore_mem>>)
    } else {
    }
    %not3A = arith.constant true
    %not3A_14 = arith.xori %lt3A_4, %not3A : i1
    %convert_element_type3A_15 = arith.extui %not3A_14 : i1 to i32
    %cond3A_16 = arith.constant 0 : i32
    %cond3A_17 = arith.cmpi ne, %convert_element_type3A_15, %cond3A_16 : i32
    scf.if %cond3A_17 {
      %mul3A_271 = arith.constant 80 : i32
      %mul3A_272 = arith.muli %select_n3A, %mul3A_271 : i32
      %dma_start3A_273 = arith.constant 0 : i32
      %dma_start3A_274 = tpu.memref_slice %arg8[%dma_start3A_273] : memref<3200xi32, #tpu.memory_space<vmem>> -> memref<3120xi32, #tpu.memory_space<vmem>>
      %dma_start3A_275 = tpu.memref_slice %arg2[%mul3A_272] : memref<100000xi32, #tpu.memory_space<hbm>> -> memref<3120xi32, #tpu.memory_space<hbm>>
      %dma_start3A_276 = arith.constant 0 : i32
      %dma_start3A_277 = tpu.memref_slice %arg8[%dma_start3A_276] : memref<3200xi32, #tpu.memory_space<vmem>> -> memref<3120xi32, #tpu.memory_space<vmem>>
      %dma_start3A_278 = tpu.memref_slice %arg2[%mul3A_272] : memref<100000xi32, #tpu.memory_space<hbm>> -> memref<3120xi32, #tpu.memory_space<hbm>>
      tpu.enqueue_dma source(%dma_start3A_278 : memref<3120xi32, #tpu.memory_space<hbm>>) target(%dma_start3A_277 : memref<3120xi32, #tpu.memory_space<vmem>>) target_semaphore(%arg9 : memref<!tpu.dma_semaphore, #tpu.memory_space<semaphore_mem>>)
    } else {
    }
    %scan3A = arith.constant 0 : i32
    %scan3A_18 = arith.constant 80 : i32
    %scan3A_19 = arith.addi %scan3A, %scan3A_18 : i32
    %scan3A_20 = arith.constant 1 : i32
    scf.for %scan3A_271 = %scan3A to %scan3A_19 step %scan3A_20  : i32 {
      %mul3A_272 = arith.constant 1 : i32
      %mul3A_273 = arith.muli %scan3A_271, %mul3A_272 : i32
      %add3A_274 = arith.constant 0 : i32
      %add3A_275 = arith.addi %add3A_274, %mul3A_273 : i32
      %mul3A_276 = arith.constant 128 : i32
      %mul3A_277 = arith.muli %add3A_275, %mul3A_276 : i32
      %add3A_278 = arith.constant 0 : i32
      %add3A_279 = arith.addi %mul3A_277, %add3A_278 : i32
      %swap3A = arith.index_cast %add3A_279 : i32 to index
      %swap3A_280 = tpu.vector_load %arg4[%swap3A] {strides = array<i32>} : memref<10240xf32, #tpu.memory_space<vmem>>, vector<16xf32>,
      tpu.vector_store %arg4[%swap3A], %broadcast_in_dim3A_3 {strides = array<i32>} : memref<10240xf32, #tpu.memory_space<vmem>>, vector<16xf32>,
      %add3A_281 = arith.constant 16 : i32
      %add3A_282 = arith.addi %mul3A_277, %add3A_281 : i32
      %swap3A_283 = arith.index_cast %add3A_282 : i32 to index
      %swap3A_284 = tpu.vector_load %arg4[%swap3A_283] {strides = array<i32>} : memref<10240xf32, #tpu.memory_space<vmem>>, vector<16xf32>,
      tpu.vector_store %arg4[%swap3A_283], %broadcast_in_dim3A_3 {strides = array<i32>} : memref<10240xf32, #tpu.memory_space<vmem>>, vector<16xf32>,
      %add3A_285 = arith.constant 32 : i32
      %add3A_286 = arith.addi %mul3A_277, %add3A_285 : i32
      %swap3A_287 = arith.index_cast %add3A_286 : i32 to index
      %swap3A_288 = tpu.vector_load %arg4[%swap3A_287] {strides = array<i32>} : memref<10240xf32, #tpu.memory_space<vmem>>, vector<16xf32>,
      tpu.vector_store %arg4[%swap3A_287], %broadcast_in_dim3A_3 {strides = array<i32>} : memref<10240xf32, #tpu.memory_space<vmem>>, vector<16xf32>,
      %add3A_289 = arith.constant 48 : i32
      %add3A_290 = arith.addi %mul3A_277, %add3A_289 : i32
      %swap3A_291 = arith.index_cast %add3A_290 : i32 to index
      %swap3A_292 = tpu.vector_load %arg4[%swap3A_291] {strides = array<i32>} : memref<10240xf32, #tpu.memory_space<vmem>>, vector<16xf32>,
      tpu.vector_store %arg4[%swap3A_291], %broadcast_in_dim3A_3 {strides = array<i32>} : memref<10240xf32, #tpu.memory_space<vmem>>, vector<16xf32>,
      %add3A_293 = arith.constant 64 : i32
      %add3A_294 = arith.addi %mul3A_277, %add3A_293 : i32
      %swap3A_295 = arith.index_cast %add3A_294 : i32 to index
      %swap3A_296 = tpu.vector_load %arg4[%swap3A_295] {strides = array<i32>} : memref<10240xf32, #tpu.memory_space<vmem>>, vector<16xf32>,
      tpu.vector_store %arg4[%swap3A_295], %broadcast_in_dim3A_3 {strides = array<i32>} : memref<10240xf32, #tpu.memory_space<vmem>>, vector<16xf32>,
      %add3A_297 = arith.constant 80 : i32
      %add3A_298 = arith.addi %mul3A_277, %add3A_297 : i32
      %swap3A_299 = arith.index_cast %add3A_298 : i32 to index
      %swap3A_300 = tpu.vector_load %arg4[%swap3A_299] {strides = array<i32>} : memref<10240xf32, #tpu.memory_space<vmem>>, vector<16xf32>,
      tpu.vector_store %arg4[%swap3A_299], %broadcast_in_dim3A_3 {strides = array<i32>} : memref<10240xf32, #tpu.memory_space<vmem>>, vector<16xf32>,
      %add3A_301 = arith.constant 96 : i32
      %add3A_302 = arith.addi %mul3A_277, %add3A_301 : i32
      %swap3A_303 = arith.index_cast %add3A_302 : i32 to index
      %swap3A_304 = tpu.vector_load %arg4[%swap3A_303] {strides = array<i32>} : memref<10240xf32, #tpu.memory_space<vmem>>, vector<16xf32>,
      tpu.vector_store %arg4[%swap3A_303], %broadcast_in_dim3A_3 {strides = array<i32>} : memref<10240xf32, #tpu.memory_space<vmem>>, vector<16xf32>,
      %add3A_305 = arith.constant 112 : i32
      %add3A_306 = arith.addi %mul3A_277, %add3A_305 : i32
      %swap3A_307 = arith.index_cast %add3A_306 : i32 to index
      %swap3A_308 = tpu.vector_load %arg4[%swap3A_307] {strides = array<i32>} : memref<10240xf32, #tpu.memory_space<vmem>>, vector<16xf32>,
      tpu.vector_store %arg4[%swap3A_307], %broadcast_in_dim3A_3 {strides = array<i32>} : memref<10240xf32, #tpu.memory_space<vmem>>, vector<16xf32>,
    }
    %scan3A_21 = arith.constant 80 : i32
    %convert_element_type3A_22 = arith.extui %lt3A_4 : i1 to i32
    %cond3A_23 = arith.constant 0 : i32
    %cond3A_24 = arith.cmpi ne, %convert_element_type3A_22, %cond3A_23 : i32
    scf.if %cond3A_24 {
      %dma_wait3A = arith.constant 0 : i32
      %dma_wait3A_271 = tpu.memref_slice %arg2[%dma_wait3A] : memref<100000xi32, #tpu.memory_space<hbm>> -> memref<3200xi32, #tpu.memory_space<hbm>>
      %dma_wait3A_272 = arith.constant 0 : i32
      %dma_wait3A_273 = tpu.memref_slice %arg2[%dma_wait3A_272] : memref<100000xi32, #tpu.memory_space<hbm>> -> memref<3200xi32, #tpu.memory_space<hbm>>
      tpu.wait_dma2 semaphore(%arg9 : memref<!tpu.dma_semaphore, #tpu.memory_space<semaphore_mem>>) src(%dma_wait3A_273 : memref<3200xi32, #tpu.memory_space<hbm>>) dst(%arg8 : memref<3200xi32, #tpu.memory_space<vmem>>)
    } else {
    }
    %not3A_25 = arith.constant true
    %not3A_26 = arith.xori %lt3A_4, %not3A_25 : i1
    %convert_element_type3A_27 = arith.extui %not3A_26 : i1 to i32
    %cond3A_28 = arith.constant 0 : i32
    %cond3A_29 = arith.cmpi ne, %convert_element_type3A_27, %cond3A_28 : i32
    scf.if %cond3A_29 {
      %dma_wait3A = arith.constant 0 : i32
      %dma_wait3A_271 = tpu.memref_slice %arg8[%dma_wait3A] : memref<3200xi32, #tpu.memory_space<vmem>> -> memref<3120xi32, #tpu.memory_space<vmem>>
      %dma_wait3A_272 = arith.constant 0 : i32
      %dma_wait3A_273 = tpu.memref_slice %arg2[%dma_wait3A_272] : memref<100000xi32, #tpu.memory_space<hbm>> -> memref<3120xi32, #tpu.memory_space<hbm>>
      %dma_wait3A_274 = arith.constant 0 : i32
      %dma_wait3A_275 = tpu.memref_slice %arg8[%dma_wait3A_274] : memref<3200xi32, #tpu.memory_space<vmem>> -> memref<3120xi32, #tpu.memory_space<vmem>>
      %dma_wait3A_276 = arith.constant 0 : i32
      %dma_wait3A_277 = tpu.memref_slice %arg2[%dma_wait3A_276] : memref<100000xi32, #tpu.memory_space<hbm>> -> memref<3120xi32, #tpu.memory_space<hbm>>
      tpu.wait_dma2 semaphore(%arg9 : memref<!tpu.dma_semaphore, #tpu.memory_space<semaphore_mem>>) src(%dma_wait3A_277 : memref<3120xi32, #tpu.memory_space<hbm>>) dst(%dma_wait3A_275 : memref<3120xi32, #tpu.memory_space<vmem>>)
    } else {
    }
    %get3A = arith.constant 0 : index
    %get3A_30 = tpu.vector_load %arg8[%get3A] {strides = array<i32>} : memref<3200xi32, #tpu.memory_space<vmem>>, vector<16xi32>,
    %add3A_31 = arith.constant 0 : i32
    %add3A_32 = vector.broadcast %add3A_31 : i32 to vector<16xi32>
    %add3A_33 = arith.addi %add3A_32, %iota3A : vector<16xi32>
    %mul3A_34 = arith.constant 128 : i32
    %mul3A_35 = vector.broadcast %mul3A_34 : i32 to vector<16xi32>
    %mul3A_36 = arith.muli %add3A_33, %mul3A_35 : vector<16xi32>
    %add3A_37 = arith.addi %mul3A_36, %get3A_30 : vector<16xi32>
    tpu.vector_store_idx %arg4[%add3A_37], %broadcast_in_dim3A_1 : memref<10240xf32, #tpu.memory_space<vmem>>[vector<16xi32>], vector<16xf32>,
    %get3A_38 = arith.constant 16 : index
    %get3A_39 = tpu.vector_load %arg8[%get3A_38] {strides = array<i32>} : memref<3200xi32, #tpu.memory_space<vmem>>, vector<16xi32>,
    %add3A_40 = arith.constant 16 : i32
    %add3A_41 = vector.broadcast %add3A_40 : i32 to vector<16xi32>
    %add3A_42 = arith.addi %add3A_41, %iota3A : vector<16xi32>
    %mul3A_43 = arith.constant 128 : i32
    %mul3A_44 = vector.broadcast %mul3A_43 : i32 to vector<16xi32>
    %mul3A_45 = arith.muli %add3A_42, %mul3A_44 : vector<16xi32>
    %add3A_46 = arith.addi %mul3A_45, %get3A_39 : vector<16xi32>
    tpu.vector_store_idx %arg4[%add3A_46], %broadcast_in_dim3A_1 : memref<10240xf32, #tpu.memory_space<vmem>>[vector<16xi32>], vector<16xf32>,
    %get3A_47 = arith.constant 32 : index
    %get3A_48 = tpu.vector_load %arg8[%get3A_47] {strides = array<i32>} : memref<3200xi32, #tpu.memory_space<vmem>>, vector<16xi32>,
    %add3A_49 = arith.constant 32 : i32
    %add3A_50 = vector.broadcast %add3A_49 : i32 to vector<16xi32>
    %add3A_51 = arith.addi %add3A_50, %iota3A : vector<16xi32>
    %mul3A_52 = arith.constant 128 : i32
    %mul3A_53 = vector.broadcast %mul3A_52 : i32 to vector<16xi32>
    %mul3A_54 = arith.muli %add3A_51, %mul3A_53 : vector<16xi32>
    %add3A_55 = arith.addi %mul3A_54, %get3A_48 : vector<16xi32>
    tpu.vector_store_idx %arg4[%add3A_55], %broadcast_in_dim3A_1 : memref<10240xf32, #tpu.memory_space<vmem>>[vector<16xi32>], vector<16xf32>,
    %get3A_56 = arith.constant 48 : index
    %get3A_57 = tpu.vector_load %arg8[%get3A_56] {strides = array<i32>} : memref<3200xi32, #tpu.memory_space<vmem>>, vector<16xi32>,
    %add3A_58 = arith.constant 48 : i32
    %add3A_59 = vector.broadcast %add3A_58 : i32 to vector<16xi32>
    %add3A_60 = arith.addi %add3A_59, %iota3A : vector<16xi32>
    %mul3A_61 = arith.constant 128 : i32
    %mul3A_62 = vector.broadcast %mul3A_61 : i32 to vector<16xi32>
    %mul3A_63 = arith.muli %add3A_60, %mul3A_62 : vector<16xi32>
    %add3A_64 = arith.addi %mul3A_63, %get3A_57 : vector<16xi32>
    tpu.vector_store_idx %arg4[%add3A_64], %broadcast_in_dim3A_1 : memref<10240xf32, #tpu.memory_space<vmem>>[vector<16xi32>], vector<16xf32>,
    %get3A_65 = arith.constant 64 : index
    %get3A_66 = tpu.vector_load %arg8[%get3A_65] {strides = array<i32>} : memref<3200xi32, #tpu.memory_space<vmem>>, vector<16xi32>,
    %add3A_67 = arith.constant 64 : i32
    %add3A_68 = vector.broadcast %add3A_67 : i32 to vector<16xi32>
    %add3A_69 = arith.addi %add3A_68, %iota3A : vector<16xi32>
    %mul3A_70 = arith.constant 128 : i32
    %mul3A_71 = vector.broadcast %mul3A_70 : i32 to vector<16xi32>
    %mul3A_72 = arith.muli %add3A_69, %mul3A_71 : vector<16xi32>
    %add3A_73 = arith.addi %mul3A_72, %get3A_66 : vector<16xi32>
    tpu.vector_store_idx %arg4[%add3A_73], %broadcast_in_dim3A_1 : memref<10240xf32, #tpu.memory_space<vmem>>[vector<16xi32>], vector<16xf32>,
    %add3A_74 = arith.constant 0 : i32
    %add3A_75 = arith.addi %select_n3A, %add3A_74 : i32
    %mul3A_76 = arith.constant 10240 : i32
    %mul3A_77 = arith.muli %add3A_75, %mul3A_76 : i32
    %dma_start3A = tpu.memref_slice %arg3[%mul3A_77] : memref<12800000xf32, #tpu.memory_space<hbm>> -> memref<10240xf32, #tpu.memory_space<hbm>>
    %dma_start3A_78 = tpu.memref_slice %arg3[%mul3A_77] : memref<12800000xf32, #tpu.memory_space<hbm>> -> memref<10240xf32, #tpu.memory_space<hbm>>
    tpu.enqueue_dma source(%arg4 : memref<10240xf32, #tpu.memory_space<vmem>>) target(%dma_start3A_78 : memref<10240xf32, #tpu.memory_space<hbm>>) target_semaphore(%arg10 : memref<!tpu.dma_semaphore, #tpu.memory_space<semaphore_mem>>)
    %scan3A_79 = arith.constant 0 : i32
    %scan3A_80 = arith.constant 80 : i32
    %scan3A_81 = arith.addi %scan3A_79, %scan3A_80 : i32
    %scan3A_82 = arith.constant 1 : i32
    scf.for %scan3A_271 = %scan3A_79 to %scan3A_81 step %scan3A_82  : i32 {
      %mul3A_272 = arith.constant 1 : i32
      %mul3A_273 = arith.muli %scan3A_271, %mul3A_272 : i32
      %add3A_274 = arith.constant 0 : i32
      %add3A_275 = arith.addi %add3A_274, %mul3A_273 : i32
      %mul3A_276 = arith.constant 128 : i32
      %mul3A_277 = arith.muli %add3A_275, %mul3A_276 : i32
      %add3A_278 = arith.constant 0 : i32
      %add3A_279 = arith.addi %mul3A_277, %add3A_278 : i32
      %swap3A = arith.index_cast %add3A_279 : i32 to index
      %swap3A_280 = tpu.vector_load %arg5[%swap3A] {strides = array<i32>} : memref<10240xf32, #tpu.memory_space<vmem>>, vector<16xf32>,
      tpu.vector_store %arg5[%swap3A], %broadcast_in_dim3A_3 {strides = array<i32>} : memref<10240xf32, #tpu.memory_space<vmem>>, vector<16xf32>,
      %add3A_281 = arith.constant 16 : i32
      %add3A_282 = arith.addi %mul3A_277, %add3A_281 : i32
      %swap3A_283 = arith.index_cast %add3A_282 : i32 to index
      %swap3A_284 = tpu.vector_load %arg5[%swap3A_283] {strides = array<i32>} : memref<10240xf32, #tpu.memory_space<vmem>>, vector<16xf32>,
      tpu.vector_store %arg5[%swap3A_283], %broadcast_in_dim3A_3 {strides = array<i32>} : memref<10240xf32, #tpu.memory_space<vmem>>, vector<16xf32>,
      %add3A_285 = arith.constant 32 : i32
      %add3A_286 = arith.addi %mul3A_277, %add3A_285 : i32
      %swap3A_287 = arith.index_cast %add3A_286 : i32 to index
      %swap3A_288 = tpu.vector_load %arg5[%swap3A_287] {strides = array<i32>} : memref<10240xf32, #tpu.memory_space<vmem>>, vector<16xf32>,
      tpu.vector_store %arg5[%swap3A_287], %broadcast_in_dim3A_3 {strides = array<i32>} : memref<10240xf32, #tpu.memory_space<vmem>>, vector<16xf32>,
      %add3A_289 = arith.constant 48 : i32
      %add3A_290 = arith.addi %mul3A_277, %add3A_289 : i32
      %swap3A_291 = arith.index_cast %add3A_290 : i32 to index
      %swap3A_292 = tpu.vector_load %arg5[%swap3A_291] {strides = array<i32>} : memref<10240xf32, #tpu.memory_space<vmem>>, vector<16xf32>,
      tpu.vector_store %arg5[%swap3A_291], %broadcast_in_dim3A_3 {strides = array<i32>} : memref<10240xf32, #tpu.memory_space<vmem>>, vector<16xf32>,
      %add3A_293 = arith.constant 64 : i32
      %add3A_294 = arith.addi %mul3A_277, %add3A_293 : i32
      %swap3A_295 = arith.index_cast %add3A_294 : i32 to index
      %swap3A_296 = tpu.vector_load %arg5[%swap3A_295] {strides = array<i32>} : memref<10240xf32, #tpu.memory_space<vmem>>, vector<16xf32>,
      tpu.vector_store %arg5[%swap3A_295], %broadcast_in_dim3A_3 {strides = array<i32>} : memref<10240xf32, #tpu.memory_space<vmem>>, vector<16xf32>,
      %add3A_297 = arith.constant 80 : i32
      %add3A_298 = arith.addi %mul3A_277, %add3A_297 : i32
      %swap3A_299 = arith.index_cast %add3A_298 : i32 to index
      %swap3A_300 = tpu.vector_load %arg5[%swap3A_299] {strides = array<i32>} : memref<10240xf32, #tpu.memory_space<vmem>>, vector<16xf32>,
      tpu.vector_store %arg5[%swap3A_299], %broadcast_in_dim3A_3 {strides = array<i32>} : memref<10240xf32, #tpu.memory_space<vmem>>, vector<16xf32>,
      %add3A_301 = arith.constant 96 : i32
      %add3A_302 = arith.addi %mul3A_277, %add3A_301 : i32
      %swap3A_303 = arith.index_cast %add3A_302 : i32 to index
      %swap3A_304 = tpu.vector_load %arg5[%swap3A_303] {strides = array<i32>} : memref<10240xf32, #tpu.memory_space<vmem>>, vector<16xf32>,
      tpu.vector_store %arg5[%swap3A_303], %broadcast_in_dim3A_3 {strides = array<i32>} : memref<10240xf32, #tpu.memory_space<vmem>>, vector<16xf32>,
      %add3A_305 = arith.constant 112 : i32
      %add3A_306 = arith.addi %mul3A_277, %add3A_305 : i32
      %swap3A_307 = arith.index_cast %add3A_306 : i32 to index
      %swap3A_308 = tpu.vector_load %arg5[%swap3A_307] {strides = array<i32>} : memref<10240xf32, #tpu.memory_space<vmem>>, vector<16xf32>,
      tpu.vector_store %arg5[%swap3A_307], %broadcast_in_dim3A_3 {strides = array<i32>} : memref<10240xf32, #tpu.memory_space<vmem>>, vector<16xf32>,
    }
    %scan3A_83 = arith.constant 80 : i32
    %get3A_84 = arith.constant 80 : index
    %get3A_85 = tpu.vector_load %arg8[%get3A_84] {strides = array<i32>} : memref<3200xi32, #tpu.memory_space<vmem>>, vector<16xi32>,
    %add3A_86 = arith.constant 0 : i32
    %add3A_87 = vector.broadcast %add3A_86 : i32 to vector<16xi32>
    %add3A_88 = arith.addi %add3A_87, %iota3A : vector<16xi32>
    %mul3A_89 = arith.constant 128 : i32
    %mul3A_90 = vector.broadcast %mul3A_89 : i32 to vector<16xi32>
    %mul3A_91 = arith.muli %add3A_88, %mul3A_90 : vector<16xi32>
    %add3A_92 = arith.addi %mul3A_91, %get3A_85 : vector<16xi32>
    tpu.vector_store_idx %arg5[%add3A_92], %broadcast_in_dim3A_1 : memref<10240xf32, #tpu.memory_space<vmem>>[vector<16xi32>], vector<16xf32>,
    %get3A_93 = arith.constant 96 : index
    %get3A_94 = tpu.vector_load %arg8[%get3A_93] {strides = array<i32>} : memref<3200xi32, #tpu.memory_space<vmem>>, vector<16xi32>,
    %add3A_95 = arith.constant 16 : i32
    %add3A_96 = vector.broadcast %add3A_95 : i32 to vector<16xi32>
    %add3A_97 = arith.addi %add3A_96, %iota3A : vector<16xi32>
    %mul3A_98 = arith.constant 128 : i32
    %mul3A_99 = vector.broadcast %mul3A_98 : i32 to vector<16xi32>
    %mul3A_100 = arith.muli %add3A_97, %mul3A_99 : vector<16xi32>
    %add3A_101 = arith.addi %mul3A_100, %get3A_94 : vector<16xi32>
    tpu.vector_store_idx %arg5[%add3A_101], %broadcast_in_dim3A_1 : memref<10240xf32, #tpu.memory_space<vmem>>[vector<16xi32>], vector<16xf32>,
    %get3A_102 = arith.constant 112 : index
    %get3A_103 = tpu.vector_load %arg8[%get3A_102] {strides = array<i32>} : memref<3200xi32, #tpu.memory_space<vmem>>, vector<16xi32>,
    %add3A_104 = arith.constant 32 : i32
    %add3A_105 = vector.broadcast %add3A_104 : i32 to vector<16xi32>
    %add3A_106 = arith.addi %add3A_105, %iota3A : vector<16xi32>
    %mul3A_107 = arith.constant 128 : i32
    %mul3A_108 = vector.broadcast %mul3A_107 : i32 to vector<16xi32>
    %mul3A_109 = arith.muli %add3A_106, %mul3A_108 : vector<16xi32>
    %add3A_110 = arith.addi %mul3A_109, %get3A_103 : vector<16xi32>
    tpu.vector_store_idx %arg5[%add3A_110], %broadcast_in_dim3A_1 : memref<10240xf32, #tpu.memory_space<vmem>>[vector<16xi32>], vector<16xf32>,
    %get3A_111 = arith.constant 128 : index
    %get3A_112 = tpu.vector_load %arg8[%get3A_111] {strides = array<i32>} : memref<3200xi32, #tpu.memory_space<vmem>>, vector<16xi32>,
    %add3A_113 = arith.constant 48 : i32
    %add3A_114 = vector.broadcast %add3A_113 : i32 to vector<16xi32>
    %add3A_115 = arith.addi %add3A_114, %iota3A : vector<16xi32>
    %mul3A_116 = arith.constant 128 : i32
    %mul3A_117 = vector.broadcast %mul3A_116 : i32 to vector<16xi32>
    %mul3A_118 = arith.muli %add3A_115, %mul3A_117 : vector<16xi32>
    %add3A_119 = arith.addi %mul3A_118, %get3A_112 : vector<16xi32>
    tpu.vector_store_idx %arg5[%add3A_119], %broadcast_in_dim3A_1 : memref<10240xf32, #tpu.memory_space<vmem>>[vector<16xi32>], vector<16xf32>,
    %get3A_120 = arith.constant 144 : index
    %get3A_121 = tpu.vector_load %arg8[%get3A_120] {strides = array<i32>} : memref<3200xi32, #tpu.memory_space<vmem>>, vector<16xi32>,
    %add3A_122 = arith.constant 64 : i32
    %add3A_123 = vector.broadcast %add3A_122 : i32 to vector<16xi32>
    %add3A_124 = arith.addi %add3A_123, %iota3A : vector<16xi32>
    %mul3A_125 = arith.constant 128 : i32
    %mul3A_126 = vector.broadcast %mul3A_125 : i32 to vector<16xi32>
    %mul3A_127 = arith.muli %add3A_124, %mul3A_126 : vector<16xi32>
    %add3A_128 = arith.addi %mul3A_127, %get3A_121 : vector<16xi32>
    tpu.vector_store_idx %arg5[%add3A_128], %broadcast_in_dim3A_1 : memref<10240xf32, #tpu.memory_space<vmem>>[vector<16xi32>], vector<16xf32>,
    %add3A_129 = arith.constant 1 : i32
    %add3A_130 = arith.addi %select_n3A, %add3A_129 : i32
    %mul3A_131 = arith.constant 10240 : i32
    %mul3A_132 = arith.muli %add3A_130, %mul3A_131 : i32
    %dma_start3A_133 = tpu.memref_slice %arg3[%mul3A_132] : memref<12800000xf32, #tpu.memory_space<hbm>> -> memref<10240xf32, #tpu.memory_space<hbm>>
    %dma_start3A_134 = tpu.memref_slice %arg3[%mul3A_132] : memref<12800000xf32, #tpu.memory_space<hbm>> -> memref<10240xf32, #tpu.memory_space<hbm>>
    tpu.enqueue_dma source(%arg5 : memref<10240xf32, #tpu.memory_space<vmem>>) target(%dma_start3A_134 : memref<10240xf32, #tpu.memory_space<hbm>>) target_semaphore(%arg11 : memref<!tpu.dma_semaphore, #tpu.memory_space<semaphore_mem>>)
    %scan3A_135 = arith.constant 0 : i32
    %scan3A_136 = arith.constant 80 : i32
    %scan3A_137 = arith.addi %scan3A_135, %scan3A_136 : i32
    %scan3A_138 = arith.constant 1 : i32
    scf.for %scan3A_271 = %scan3A_135 to %scan3A_137 step %scan3A_138  : i32 {
      %mul3A_272 = arith.constant 1 : i32
      %mul3A_273 = arith.muli %scan3A_271, %mul3A_272 : i32
      %add3A_274 = arith.constant 0 : i32
      %add3A_275 = arith.addi %add3A_274, %mul3A_273 : i32
      %mul3A_276 = arith.constant 128 : i32
      %mul3A_277 = arith.muli %add3A_275, %mul3A_276 : i32
      %add3A_278 = arith.constant 0 : i32
      %add3A_279 = arith.addi %mul3A_277, %add3A_278 : i32
      %swap3A = arith.index_cast %add3A_279 : i32 to index
      %swap3A_280 = tpu.vector_load %arg6[%swap3A] {strides = array<i32>} : memref<10240xf32, #tpu.memory_space<vmem>>, vector<16xf32>,
      tpu.vector_store %arg6[%swap3A], %broadcast_in_dim3A_3 {strides = array<i32>} : memref<10240xf32, #tpu.memory_space<vmem>>, vector<16xf32>,
      %add3A_281 = arith.constant 16 : i32
      %add3A_282 = arith.addi %mul3A_277, %add3A_281 : i32
      %swap3A_283 = arith.index_cast %add3A_282 : i32 to index
      %swap3A_284 = tpu.vector_load %arg6[%swap3A_283] {strides = array<i32>} : memref<10240xf32, #tpu.memory_space<vmem>>, vector<16xf32>,
      tpu.vector_store %arg6[%swap3A_283], %broadcast_in_dim3A_3 {strides = array<i32>} : memref<10240xf32, #tpu.memory_space<vmem>>, vector<16xf32>,
      %add3A_285 = arith.constant 32 : i32
      %add3A_286 = arith.addi %mul3A_277, %add3A_285 : i32
      %swap3A_287 = arith.index_cast %add3A_286 : i32 to index
      %swap3A_288 = tpu.vector_load %arg6[%swap3A_287] {strides = array<i32>} : memref<10240xf32, #tpu.memory_space<vmem>>, vector<16xf32>,
      tpu.vector_store %arg6[%swap3A_287], %broadcast_in_dim3A_3 {strides = array<i32>} : memref<10240xf32, #tpu.memory_space<vmem>>, vector<16xf32>,
      %add3A_289 = arith.constant 48 : i32
      %add3A_290 = arith.addi %mul3A_277, %add3A_289 : i32
      %swap3A_291 = arith.index_cast %add3A_290 : i32 to index
      %swap3A_292 = tpu.vector_load %arg6[%swap3A_291] {strides = array<i32>} : memref<10240xf32, #tpu.memory_space<vmem>>, vector<16xf32>,
      tpu.vector_store %arg6[%swap3A_291], %broadcast_in_dim3A_3 {strides = array<i32>} : memref<10240xf32, #tpu.memory_space<vmem>>, vector<16xf32>,
      %add3A_293 = arith.constant 64 : i32
      %add3A_294 = arith.addi %mul3A_277, %add3A_293 : i32
      %swap3A_295 = arith.index_cast %add3A_294 : i32 to index
      %swap3A_296 = tpu.vector_load %arg6[%swap3A_295] {strides = array<i32>} : memref<10240xf32, #tpu.memory_space<vmem>>, vector<16xf32>,
      tpu.vector_store %arg6[%swap3A_295], %broadcast_in_dim3A_3 {strides = array<i32>} : memref<10240xf32, #tpu.memory_space<vmem>>, vector<16xf32>,
      %add3A_297 = arith.constant 80 : i32
      %add3A_298 = arith.addi %mul3A_277, %add3A_297 : i32
      %swap3A_299 = arith.index_cast %add3A_298 : i32 to index
      %swap3A_300 = tpu.vector_load %arg6[%swap3A_299] {strides = array<i32>} : memref<10240xf32, #tpu.memory_space<vmem>>, vector<16xf32>,
      tpu.vector_store %arg6[%swap3A_299], %broadcast_in_dim3A_3 {strides = array<i32>} : memref<10240xf32, #tpu.memory_space<vmem>>, vector<16xf32>,
      %add3A_301 = arith.constant 96 : i32
      %add3A_302 = arith.addi %mul3A_277, %add3A_301 : i32
      %swap3A_303 = arith.index_cast %add3A_302 : i32 to index
      %swap3A_304 = tpu.vector_load %arg6[%swap3A_303] {strides = array<i32>} : memref<10240xf32, #tpu.memory_space<vmem>>, vector<16xf32>,
      tpu.vector_store %arg6[%swap3A_303], %broadcast_in_dim3A_3 {strides = array<i32>} : memref<10240xf32, #tpu.memory_space<vmem>>, vector<16xf32>,
      %add3A_305 = arith.constant 112 : i32
      %add3A_306 = arith.addi %mul3A_277, %add3A_305 : i32
      %swap3A_307 = arith.index_cast %add3A_306 : i32 to index
      %swap3A_308 = tpu.vector_load %arg6[%swap3A_307] {strides = array<i32>} : memref<10240xf32, #tpu.memory_space<vmem>>, vector<16xf32>,
      tpu.vector_store %arg6[%swap3A_307], %broadcast_in_dim3A_3 {strides = array<i32>} : memref<10240xf32, #tpu.memory_space<vmem>>, vector<16xf32>,
    }
    %scan3A_139 = arith.constant 80 : i32
    %get3A_140 = arith.constant 160 : index
    %get3A_141 = tpu.vector_load %arg8[%get3A_140] {strides = array<i32>} : memref<3200xi32, #tpu.memory_space<vmem>>, vector<16xi32>,
    %add3A_142 = arith.constant 0 : i32
    %add3A_143 = vector.broadcast %add3A_142 : i32 to vector<16xi32>
    %add3A_144 = arith.addi %add3A_143, %iota3A : vector<16xi32>
    %mul3A_145 = arith.constant 128 : i32
    %mul3A_146 = vector.broadcast %mul3A_145 : i32 to vector<16xi32>
    %mul3A_147 = arith.muli %add3A_144, %mul3A_146 : vector<16xi32>
    %add3A_148 = arith.addi %mul3A_147, %get3A_141 : vector<16xi32>
    tpu.vector_store_idx %arg6[%add3A_148], %broadcast_in_dim3A_1 : memref<10240xf32, #tpu.memory_space<vmem>>[vector<16xi32>], vector<16xf32>,
    %get3A_149 = arith.constant 176 : index
    %get3A_150 = tpu.vector_load %arg8[%get3A_149] {strides = array<i32>} : memref<3200xi32, #tpu.memory_space<vmem>>, vector<16xi32>,
    %add3A_151 = arith.constant 16 : i32
    %add3A_152 = vector.broadcast %add3A_151 : i32 to vector<16xi32>
    %add3A_153 = arith.addi %add3A_152, %iota3A : vector<16xi32>
    %mul3A_154 = arith.constant 128 : i32
    %mul3A_155 = vector.broadcast %mul3A_154 : i32 to vector<16xi32>
    %mul3A_156 = arith.muli %add3A_153, %mul3A_155 : vector<16xi32>
    %add3A_157 = arith.addi %mul3A_156, %get3A_150 : vector<16xi32>
    tpu.vector_store_idx %arg6[%add3A_157], %broadcast_in_dim3A_1 : memref<10240xf32, #tpu.memory_space<vmem>>[vector<16xi32>], vector<16xf32>,
    %get3A_158 = arith.constant 192 : index
    %get3A_159 = tpu.vector_load %arg8[%get3A_158] {strides = array<i32>} : memref<3200xi32, #tpu.memory_space<vmem>>, vector<16xi32>,
    %add3A_160 = arith.constant 32 : i32
    %add3A_161 = vector.broadcast %add3A_160 : i32 to vector<16xi32>
    %add3A_162 = arith.addi %add3A_161, %iota3A : vector<16xi32>
    %mul3A_163 = arith.constant 128 : i32
    %mul3A_164 = vector.broadcast %mul3A_163 : i32 to vector<16xi32>
    %mul3A_165 = arith.muli %add3A_162, %mul3A_164 : vector<16xi32>
    %add3A_166 = arith.addi %mul3A_165, %get3A_159 : vector<16xi32>
    tpu.vector_store_idx %arg6[%add3A_166], %broadcast_in_dim3A_1 : memref<10240xf32, #tpu.memory_space<vmem>>[vector<16xi32>], vector<16xf32>,
    %get3A_167 = arith.constant 208 : index
    %get3A_168 = tpu.vector_load %arg8[%get3A_167] {strides = array<i32>} : memref<3200xi32, #tpu.memory_space<vmem>>, vector<16xi32>,
    %add3A_169 = arith.constant 48 : i32
    %add3A_170 = vector.broadcast %add3A_169 : i32 to vector<16xi32>
    %add3A_171 = arith.addi %add3A_170, %iota3A : vector<16xi32>
    %mul3A_172 = arith.constant 128 : i32
    %mul3A_173 = vector.broadcast %mul3A_172 : i32 to vector<16xi32>
    %mul3A_174 = arith.muli %add3A_171, %mul3A_173 : vector<16xi32>
    %add3A_175 = arith.addi %mul3A_174, %get3A_168 : vector<16xi32>
    tpu.vector_store_idx %arg6[%add3A_175], %broadcast_in_dim3A_1 : memref<10240xf32, #tpu.memory_space<vmem>>[vector<16xi32>], vector<16xf32>,
    %get3A_176 = arith.constant 224 : index
    %get3A_177 = tpu.vector_load %arg8[%get3A_176] {strides = array<i32>} : memref<3200xi32, #tpu.memory_space<vmem>>, vector<16xi32>,
    %add3A_178 = arith.constant 64 : i32
    %add3A_179 = vector.broadcast %add3A_178 : i32 to vector<16xi32>
    %add3A_180 = arith.addi %add3A_179, %iota3A : vector<16xi32>
    %mul3A_181 = arith.constant 128 : i32
    %mul3A_182 = vector.broadcast %mul3A_181 : i32 to vector<16xi32>
    %mul3A_183 = arith.muli %add3A_180, %mul3A_182 : vector<16xi32>
    %add3A_184 = arith.addi %mul3A_183, %get3A_177 : vector<16xi32>
    tpu.vector_store_idx %arg6[%add3A_184], %broadcast_in_dim3A_1 : memref<10240xf32, #tpu.memory_space<vmem>>[vector<16xi32>], vector<16xf32>,
    %add3A_185 = arith.constant 2 : i32
    %add3A_186 = arith.addi %select_n3A, %add3A_185 : i32
    %mul3A_187 = arith.constant 10240 : i32
    %mul3A_188 = arith.muli %add3A_186, %mul3A_187 : i32
    %dma_start3A_189 = tpu.memref_slice %arg3[%mul3A_188] : memref<12800000xf32, #tpu.memory_space<hbm>> -> memref<10240xf32, #tpu.memory_space<hbm>>
    %dma_start3A_190 = tpu.memref_slice %arg3[%mul3A_188] : memref<12800000xf32, #tpu.memory_space<hbm>> -> memref<10240xf32, #tpu.memory_space<hbm>>
    tpu.enqueue_dma source(%arg6 : memref<10240xf32, #tpu.memory_space<vmem>>) target(%dma_start3A_190 : memref<10240xf32, #tpu.memory_space<hbm>>) target_semaphore(%arg12 : memref<!tpu.dma_semaphore, #tpu.memory_space<semaphore_mem>>)
    %scan3A_191 = arith.constant 0 : i32
    %scan3A_192 = arith.constant 80 : i32
    %scan3A_193 = arith.addi %scan3A_191, %scan3A_192 : i32
    %scan3A_194 = arith.constant 1 : i32
    scf.for %scan3A_271 = %scan3A_191 to %scan3A_193 step %scan3A_194  : i32 {
      %mul3A_272 = arith.constant 1 : i32
      %mul3A_273 = arith.muli %scan3A_271, %mul3A_272 : i32
      %add3A_274 = arith.constant 0 : i32
      %add3A_275 = arith.addi %add3A_274, %mul3A_273 : i32
      %mul3A_276 = arith.constant 128 : i32
      %mul3A_277 = arith.muli %add3A_275, %mul3A_276 : i32
      %add3A_278 = arith.constant 0 : i32
      %add3A_279 = arith.addi %mul3A_277, %add3A_278 : i32
      %swap3A = arith.index_cast %add3A_279 : i32 to index
      %swap3A_280 = tpu.vector_load %arg7[%swap3A] {strides = array<i32>} : memref<10240xf32, #tpu.memory_space<vmem>>, vector<16xf32>,
      tpu.vector_store %arg7[%swap3A], %broadcast_in_dim3A_3 {strides = array<i32>} : memref<10240xf32, #tpu.memory_space<vmem>>, vector<16xf32>,
      %add3A_281 = arith.constant 16 : i32
      %add3A_282 = arith.addi %mul3A_277, %add3A_281 : i32
      %swap3A_283 = arith.index_cast %add3A_282 : i32 to index
      %swap3A_284 = tpu.vector_load %arg7[%swap3A_283] {strides = array<i32>} : memref<10240xf32, #tpu.memory_space<vmem>>, vector<16xf32>,
      tpu.vector_store %arg7[%swap3A_283], %broadcast_in_dim3A_3 {strides = array<i32>} : memref<10240xf32, #tpu.memory_space<vmem>>, vector<16xf32>,
      %add3A_285 = arith.constant 32 : i32
      %add3A_286 = arith.addi %mul3A_277, %add3A_285 : i32
      %swap3A_287 = arith.index_cast %add3A_286 : i32 to index
      %swap3A_288 = tpu.vector_load %arg7[%swap3A_287] {strides = array<i32>} : memref<10240xf32, #tpu.memory_space<vmem>>, vector<16xf32>,
      tpu.vector_store %arg7[%swap3A_287], %broadcast_in_dim3A_3 {strides = array<i32>} : memref<10240xf32, #tpu.memory_space<vmem>>, vector<16xf32>,
      %add3A_289 = arith.constant 48 : i32
      %add3A_290 = arith.addi %mul3A_277, %add3A_289 : i32
      %swap3A_291 = arith.index_cast %add3A_290 : i32 to index
      %swap3A_292 = tpu.vector_load %arg7[%swap3A_291] {strides = array<i32>} : memref<10240xf32, #tpu.memory_space<vmem>>, vector<16xf32>,
      tpu.vector_store %arg7[%swap3A_291], %broadcast_in_dim3A_3 {strides = array<i32>} : memref<10240xf32, #tpu.memory_space<vmem>>, vector<16xf32>,
      %add3A_293 = arith.constant 64 : i32
      %add3A_294 = arith.addi %mul3A_277, %add3A_293 : i32
      %swap3A_295 = arith.index_cast %add3A_294 : i32 to index
      %swap3A_296 = tpu.vector_load %arg7[%swap3A_295] {strides = array<i32>} : memref<10240xf32, #tpu.memory_space<vmem>>, vector<16xf32>,
      tpu.vector_store %arg7[%swap3A_295], %broadcast_in_dim3A_3 {strides = array<i32>} : memref<10240xf32, #tpu.memory_space<vmem>>, vector<16xf32>,
      %add3A_297 = arith.constant 80 : i32
      %add3A_298 = arith.addi %mul3A_277, %add3A_297 : i32
      %swap3A_299 = arith.index_cast %add3A_298 : i32 to index
      %swap3A_300 = tpu.vector_load %arg7[%swap3A_299] {strides = array<i32>} : memref<10240xf32, #tpu.memory_space<vmem>>, vector<16xf32>,
      tpu.vector_store %arg7[%swap3A_299], %broadcast_in_dim3A_3 {strides = array<i32>} : memref<10240xf32, #tpu.memory_space<vmem>>, vector<16xf32>,
      %add3A_301 = arith.constant 96 : i32
      %add3A_302 = arith.addi %mul3A_277, %add3A_301 : i32
      %swap3A_303 = arith.index_cast %add3A_302 : i32 to index
      %swap3A_304 = tpu.vector_load %arg7[%swap3A_303] {strides = array<i32>} : memref<10240xf32, #tpu.memory_space<vmem>>, vector<16xf32>,
      tpu.vector_store %arg7[%swap3A_303], %broadcast_in_dim3A_3 {strides = array<i32>} : memref<10240xf32, #tpu.memory_space<vmem>>, vector<16xf32>,
      %add3A_305 = arith.constant 112 : i32
      %add3A_306 = arith.addi %mul3A_277, %add3A_305 : i32
      %swap3A_307 = arith.index_cast %add3A_306 : i32 to index
      %swap3A_308 = tpu.vector_load %arg7[%swap3A_307] {strides = array<i32>} : memref<10240xf32, #tpu.memory_space<vmem>>, vector<16xf32>,
      tpu.vector_store %arg7[%swap3A_307], %broadcast_in_dim3A_3 {strides = array<i32>} : memref<10240xf32, #tpu.memory_space<vmem>>, vector<16xf32>,
    }
    %scan3A_195 = arith.constant 80 : i32
    %get3A_196 = arith.constant 240 : index
    %get3A_197 = tpu.vector_load %arg8[%get3A_196] {strides = array<i32>} : memref<3200xi32, #tpu.memory_space<vmem>>, vector<16xi32>,
    %add3A_198 = arith.constant 0 : i32
    %add3A_199 = vector.broadcast %add3A_198 : i32 to vector<16xi32>
    %add3A_200 = arith.addi %add3A_199, %iota3A : vector<16xi32>
    %mul3A_201 = arith.constant 128 : i32
    %mul3A_202 = vector.broadcast %mul3A_201 : i32 to vector<16xi32>
    %mul3A_203 = arith.muli %add3A_200, %mul3A_202 : vector<16xi32>
    %add3A_204 = arith.addi %mul3A_203, %get3A_197 : vector<16xi32>
    tpu.vector_store_idx %arg7[%add3A_204], %broadcast_in_dim3A_1 : memref<10240xf32, #tpu.memory_space<vmem>>[vector<16xi32>], vector<16xf32>,
    %get3A_205 = arith.constant 256 : index
    %get3A_206 = tpu.vector_load %arg8[%get3A_205] {strides = array<i32>} : memref<3200xi32, #tpu.memory_space<vmem>>, vector<16xi32>,
    %add3A_207 = arith.constant 16 : i32
    %add3A_208 = vector.broadcast %add3A_207 : i32 to vector<16xi32>
    %add3A_209 = arith.addi %add3A_208, %iota3A : vector<16xi32>
    %mul3A_210 = arith.constant 128 : i32
    %mul3A_211 = vector.broadcast %mul3A_210 : i32 to vector<16xi32>
    %mul3A_212 = arith.muli %add3A_209, %mul3A_211 : vector<16xi32>
    %add3A_213 = arith.addi %mul3A_212, %get3A_206 : vector<16xi32>
    tpu.vector_store_idx %arg7[%add3A_213], %broadcast_in_dim3A_1 : memref<10240xf32, #tpu.memory_space<vmem>>[vector<16xi32>], vector<16xf32>,
    %get3A_214 = arith.constant 272 : index
    %get3A_215 = tpu.vector_load %arg8[%get3A_214] {strides = array<i32>} : memref<3200xi32, #tpu.memory_space<vmem>>, vector<16xi32>,
    %add3A_216 = arith.constant 32 : i32
    %add3A_217 = vector.broadcast %add3A_216 : i32 to vector<16xi32>
    %add3A_218 = arith.addi %add3A_217, %iota3A : vector<16xi32>
    %mul3A_219 = arith.constant 128 : i32
    %mul3A_220 = vector.broadcast %mul3A_219 : i32 to vector<16xi32>
    %mul3A_221 = arith.muli %add3A_218, %mul3A_220 : vector<16xi32>
    %add3A_222 = arith.addi %mul3A_221, %get3A_215 : vector<16xi32>
    tpu.vector_store_idx %arg7[%add3A_222], %broadcast_in_dim3A_1 : memref<10240xf32, #tpu.memory_space<vmem>>[vector<16xi32>], vector<16xf32>,
    %get3A_223 = arith.constant 288 : index
    %get3A_224 = tpu.vector_load %arg8[%get3A_223] {strides = array<i32>} : memref<3200xi32, #tpu.memory_space<vmem>>, vector<16xi32>,
    %add3A_225 = arith.constant 48 : i32
    %add3A_226 = vector.broadcast %add3A_225 : i32 to vector<16xi32>
    %add3A_227 = arith.addi %add3A_226, %iota3A : vector<16xi32>
    %mul3A_228 = arith.constant 128 : i32
    %mul3A_229 = vector.broadcast %mul3A_228 : i32 to vector<16xi32>
    %mul3A_230 = arith.muli %add3A_227, %mul3A_229 : vector<16xi32>
    %add3A_231 = arith.addi %mul3A_230, %get3A_224 : vector<16xi32>
    tpu.vector_store_idx %arg7[%add3A_231], %broadcast_in_dim3A_1 : memref<10240xf32, #tpu.memory_space<vmem>>[vector<16xi32>], vector<16xf32>,
    %get3A_232 = arith.constant 304 : index
    %get3A_233 = tpu.vector_load %arg8[%get3A_232] {strides = array<i32>} : memref<3200xi32, #tpu.memory_space<vmem>>, vector<16xi32>,
    %add3A_234 = arith.constant 64 : i32
    %add3A_235 = vector.broadcast %add3A_234 : i32 to vector<16xi32>
    %add3A_236 = arith.addi %add3A_235, %iota3A : vector<16xi32>
    %mul3A_237 = arith.constant 128 : i32
    %mul3A_238 = vector.broadcast %mul3A_237 : i32 to vector<16xi32>
    %mul3A_239 = arith.muli %add3A_236, %mul3A_238 : vector<16xi32>
    %add3A_240 = arith.addi %mul3A_239, %get3A_233 : vector<16xi32>
    tpu.vector_store_idx %arg7[%add3A_240], %broadcast_in_dim3A_1 : memref<10240xf32, #tpu.memory_space<vmem>>[vector<16xi32>], vector<16xf32>,
    %add3A_241 = arith.constant 3 : i32
    %add3A_242 = arith.addi %select_n3A, %add3A_241 : i32
    %mul3A_243 = arith.constant 10240 : i32
    %mul3A_244 = arith.muli %add3A_242, %mul3A_243 : i32
    %dma_start3A_245 = tpu.memref_slice %arg3[%mul3A_244] : memref<12800000xf32, #tpu.memory_space<hbm>> -> memref<10240xf32, #tpu.memory_space<hbm>>
    %dma_start3A_246 = tpu.memref_slice %arg3[%mul3A_244] : memref<12800000xf32, #tpu.memory_space<hbm>> -> memref<10240xf32, #tpu.memory_space<hbm>>
    tpu.enqueue_dma source(%arg7 : memref<10240xf32, #tpu.memory_space<vmem>>) target(%dma_start3A_246 : memref<10240xf32, #tpu.memory_space<hbm>>) target_semaphore(%arg13 : memref<!tpu.dma_semaphore, #tpu.memory_space<semaphore_mem>>)
    %scan3A_247 = arith.constant 0 : i32
    %scan3A_248 = arith.constant 9 : i32
    %scan3A_249 = arith.addi %scan3A_247, %scan3A_248 : i32
    %scan3A_250 = arith.constant 1 : i32
    scf.for %scan3A_271 = %scan3A_247 to %scan3A_249 step %scan3A_250  : i32 {
      %mul3A_272 = arith.constant 4 : i32
      %mul3A_273 = arith.muli %scan3A_271, %mul3A_272 : i32
      %add3A_274 = arith.constant 4 : i32
      %add3A_275 = arith.addi %add3A_274, %mul3A_273 : i32
      %add3A_276 = arith.constant 0 : i32
      %add3A_277 = arith.addi %add3A_275, %add3A_276 : i32
      %dma_wait3A = arith.constant 0 : i32
      %dma_wait3A_278 = tpu.memref_slice %arg3[%dma_wait3A] : memref<12800000xf32, #tpu.memory_space<hbm>> -> memref<10240xf32, #tpu.memory_space<hbm>>
      %dma_wait3A_279 = arith.constant 0 : i32
      %dma_wait3A_280 = tpu.memref_slice %arg3[%dma_wait3A_279] : memref<12800000xf32, #tpu.memory_space<hbm>> -> memref<10240xf32, #tpu.memory_space<hbm>>
      tpu.wait_dma2 semaphore(%arg10 : memref<!tpu.dma_semaphore, #tpu.memory_space<semaphore_mem>>) src(%arg4 : memref<10240xf32, #tpu.memory_space<vmem>>) dst(%dma_wait3A_280 : memref<10240xf32, #tpu.memory_space<hbm>>)
      %sub3A = arith.constant 4 : i32
      %sub3A_281 = arith.subi %add3A_277, %sub3A : i32
      %mul3A_282 = arith.constant 80 : i32
      %mul3A_283 = arith.muli %sub3A_281, %mul3A_282 : i32
      %add3A_284 = arith.constant 0 : i32
      %add3A_285 = arith.addi %mul3A_283, %add3A_284 : i32
      %get3A_286 = arith.index_cast %add3A_285 : i32 to index
      %get3A_287 = tpu.vector_load %arg8[%get3A_286] {strides = array<i32>} : memref<3200xi32, #tpu.memory_space<vmem>>, vector<16xi32>,
      %add3A_288 = arith.constant 0 : i32
      %add3A_289 = vector.broadcast %add3A_288 : i32 to vector<16xi32>
      %add3A_290 = arith.addi %add3A_289, %iota3A : vector<16xi32>
      %mul3A_291 = arith.constant 128 : i32
      %mul3A_292 = vector.broadcast %mul3A_291 : i32 to vector<16xi32>
      %mul3A_293 = arith.muli %add3A_290, %mul3A_292 : vector<16xi32>
      %add3A_294 = arith.addi %mul3A_293, %get3A_287 : vector<16xi32>
      tpu.vector_store_idx %arg4[%add3A_294], %broadcast_in_dim3A_3 : memref<10240xf32, #tpu.memory_space<vmem>>[vector<16xi32>], vector<16xf32>,
      %mul3A_295 = arith.constant 80 : i32
      %mul3A_296 = arith.muli %sub3A_281, %mul3A_295 : i32
      %add3A_297 = arith.constant 16 : i32
      %add3A_298 = arith.addi %mul3A_296, %add3A_297 : i32
      %get3A_299 = arith.index_cast %add3A_298 : i32 to index
      %get3A_300 = tpu.vector_load %arg8[%get3A_299] {strides = array<i32>} : memref<3200xi32, #tpu.memory_space<vmem>>, vector<16xi32>,
      %add3A_301 = arith.constant 16 : i32
      %add3A_302 = vector.broadcast %add3A_301 : i32 to vector<16xi32>
      %add3A_303 = arith.addi %add3A_302, %iota3A : vector<16xi32>
      %mul3A_304 = arith.constant 128 : i32
      %mul3A_305 = vector.broadcast %mul3A_304 : i32 to vector<16xi32>
      %mul3A_306 = arith.muli %add3A_303, %mul3A_305 : vector<16xi32>
      %add3A_307 = arith.addi %mul3A_306, %get3A_300 : vector<16xi32>
      tpu.vector_store_idx %arg4[%add3A_307], %broadcast_in_dim3A_3 : memref<10240xf32, #tpu.memory_space<vmem>>[vector<16xi32>], vector<16xf32>,
      %mul3A_308 = arith.constant 80 : i32
      %mul3A_309 = arith.muli %sub3A_281, %mul3A_308 : i32
      %add3A_310 = arith.constant 32 : i32
      %add3A_311 = arith.addi %mul3A_309, %add3A_310 : i32
      %get3A_312 = arith.index_cast %add3A_311 : i32 to index
      %get3A_313 = tpu.vector_load %arg8[%get3A_312] {strides = array<i32>} : memref<3200xi32, #tpu.memory_space<vmem>>, vector<16xi32>,
      %add3A_314 = arith.constant 32 : i32
      %add3A_315 = vector.broadcast %add3A_314 : i32 to vector<16xi32>
      %add3A_316 = arith.addi %add3A_315, %iota3A : vector<16xi32>
      %mul3A_317 = arith.constant 128 : i32
      %mul3A_318 = vector.broadcast %mul3A_317 : i32 to vector<16xi32>
      %mul3A_319 = arith.muli %add3A_316, %mul3A_318 : vector<16xi32>
      %add3A_320 = arith.addi %mul3A_319, %get3A_313 : vector<16xi32>
      tpu.vector_store_idx %arg4[%add3A_320], %broadcast_in_dim3A_3 : memref<10240xf32, #tpu.memory_space<vmem>>[vector<16xi32>], vector<16xf32>,
      %mul3A_321 = arith.constant 80 : i32
      %mul3A_322 = arith.muli %sub3A_281, %mul3A_321 : i32
      %add3A_323 = arith.constant 48 : i32
      %add3A_324 = arith.addi %mul3A_322, %add3A_323 : i32
      %get3A_325 = arith.index_cast %add3A_324 : i32 to index
      %get3A_326 = tpu.vector_load %arg8[%get3A_325] {strides = array<i32>} : memref<3200xi32, #tpu.memory_space<vmem>>, vector<16xi32>,
      %add3A_327 = arith.constant 48 : i32
      %add3A_328 = vector.broadcast %add3A_327 : i32 to vector<16xi32>
      %add3A_329 = arith.addi %add3A_328, %iota3A : vector<16xi32>
      %mul3A_330 = arith.constant 128 : i32
      %mul3A_331 = vector.broadcast %mul3A_330 : i32 to vector<16xi32>
      %mul3A_332 = arith.muli %add3A_329, %mul3A_331 : vector<16xi32>
      %add3A_333 = arith.addi %mul3A_332, %get3A_326 : vector<16xi32>
      tpu.vector_store_idx %arg4[%add3A_333], %broadcast_in_dim3A_3 : memref<10240xf32, #tpu.memory_space<vmem>>[vector<16xi32>], vector<16xf32>,
      %mul3A_334 = arith.constant 80 : i32
      %mul3A_335 = arith.muli %sub3A_281, %mul3A_334 : i32
      %add3A_336 = arith.constant 64 : i32
      %add3A_337 = arith.addi %mul3A_335, %add3A_336 : i32
      %get3A_338 = arith.index_cast %add3A_337 : i32 to index
      %get3A_339 = tpu.vector_load %arg8[%get3A_338] {strides = array<i32>} : memref<3200xi32, #tpu.memory_space<vmem>>, vector<16xi32>,
      %add3A_340 = arith.constant 64 : i32
      %add3A_341 = vector.broadcast %add3A_340 : i32 to vector<16xi32>
      %add3A_342 = arith.addi %add3A_341, %iota3A : vector<16xi32>
      %mul3A_343 = arith.constant 128 : i32
      %mul3A_344 = vector.broadcast %mul3A_343 : i32 to vector<16xi32>
      %mul3A_345 = arith.muli %add3A_342, %mul3A_344 : vector<16xi32>
      %add3A_346 = arith.addi %mul3A_345, %get3A_339 : vector<16xi32>
      tpu.vector_store_idx %arg4[%add3A_346], %broadcast_in_dim3A_3 : memref<10240xf32, #tpu.memory_space<vmem>>[vector<16xi32>], vector<16xf32>,
      %lt3A_347 = arith.cmpi slt, %add3A_277, %select_n3A_12 : i32
      %convert_element_type3A_348 = arith.extui %lt3A_347 : i1 to i32
      %cond3A_349 = arith.constant 0 : i32
      %cond3A_350 = arith.cmpi ne, %convert_element_type3A_348, %cond3A_349 : i32
      scf.if %cond3A_350 {
        %mul3A_582 = arith.constant 80 : i32
        %mul3A_583 = arith.muli %add3A_277, %mul3A_582 : i32
        %add3A_584 = arith.constant 0 : i32
        %add3A_585 = arith.addi %mul3A_583, %add3A_584 : i32
        %get3A_586 = arith.index_cast %add3A_585 : i32 to index
        %get3A_587 = tpu.vector_load %arg8[%get3A_586] {strides = array<i32>} : memref<3200xi32, #tpu.memory_space<vmem>>, vector<16xi32>,
        %add3A_588 = arith.constant 0 : i32
        %add3A_589 = vector.broadcast %add3A_588 : i32 to vector<16xi32>
        %add3A_590 = arith.addi %add3A_589, %iota3A : vector<16xi32>
        %mul3A_591 = arith.constant 128 : i32
        %mul3A_592 = vector.broadcast %mul3A_591 : i32 to vector<16xi32>
        %mul3A_593 = arith.muli %add3A_590, %mul3A_592 : vector<16xi32>
        %add3A_594 = arith.addi %mul3A_593, %get3A_587 : vector<16xi32>
        tpu.vector_store_idx %arg4[%add3A_594], %broadcast_in_dim3A_1 : memref<10240xf32, #tpu.memory_space<vmem>>[vector<16xi32>], vector<16xf32>,
        %mul3A_595 = arith.constant 80 : i32
        %mul3A_596 = arith.muli %add3A_277, %mul3A_595 : i32
        %add3A_597 = arith.constant 16 : i32
        %add3A_598 = arith.addi %mul3A_596, %add3A_597 : i32
        %get3A_599 = arith.index_cast %add3A_598 : i32 to index
        %get3A_600 = tpu.vector_load %arg8[%get3A_599] {strides = array<i32>} : memref<3200xi32, #tpu.memory_space<vmem>>, vector<16xi32>,
        %add3A_601 = arith.constant 16 : i32
        %add3A_602 = vector.broadcast %add3A_601 : i32 to vector<16xi32>
        %add3A_603 = arith.addi %add3A_602, %iota3A : vector<16xi32>
        %mul3A_604 = arith.constant 128 : i32
        %mul3A_605 = vector.broadcast %mul3A_604 : i32 to vector<16xi32>
        %mul3A_606 = arith.muli %add3A_603, %mul3A_605 : vector<16xi32>
        %add3A_607 = arith.addi %mul3A_606, %get3A_600 : vector<16xi32>
        tpu.vector_store_idx %arg4[%add3A_607], %broadcast_in_dim3A_1 : memref<10240xf32, #tpu.memory_space<vmem>>[vector<16xi32>], vector<16xf32>,
        %mul3A_608 = arith.constant 80 : i32
        %mul3A_609 = arith.muli %add3A_277, %mul3A_608 : i32
        %add3A_610 = arith.constant 32 : i32
        %add3A_611 = arith.addi %mul3A_609, %add3A_610 : i32
        %get3A_612 = arith.index_cast %add3A_611 : i32 to index
        %get3A_613 = tpu.vector_load %arg8[%get3A_612] {strides = array<i32>} : memref<3200xi32, #tpu.memory_space<vmem>>, vector<16xi32>,
        %add3A_614 = arith.constant 32 : i32
        %add3A_615 = vector.broadcast %add3A_614 : i32 to vector<16xi32>
        %add3A_616 = arith.addi %add3A_615, %iota3A : vector<16xi32>
        %mul3A_617 = arith.constant 128 : i32
        %mul3A_618 = vector.broadcast %mul3A_617 : i32 to vector<16xi32>
        %mul3A_619 = arith.muli %add3A_616, %mul3A_618 : vector<16xi32>
        %add3A_620 = arith.addi %mul3A_619, %get3A_613 : vector<16xi32>
        tpu.vector_store_idx %arg4[%add3A_620], %broadcast_in_dim3A_1 : memref<10240xf32, #tpu.memory_space<vmem>>[vector<16xi32>], vector<16xf32>,
        %mul3A_621 = arith.constant 80 : i32
        %mul3A_622 = arith.muli %add3A_277, %mul3A_621 : i32
        %add3A_623 = arith.constant 48 : i32
        %add3A_624 = arith.addi %mul3A_622, %add3A_623 : i32
        %get3A_625 = arith.index_cast %add3A_624 : i32 to index
        %get3A_626 = tpu.vector_load %arg8[%get3A_625] {strides = array<i32>} : memref<3200xi32, #tpu.memory_space<vmem>>, vector<16xi32>,
        %add3A_627 = arith.constant 48 : i32
        %add3A_628 = vector.broadcast %add3A_627 : i32 to vector<16xi32>
        %add3A_629 = arith.addi %add3A_628, %iota3A : vector<16xi32>
        %mul3A_630 = arith.constant 128 : i32
        %mul3A_631 = vector.broadcast %mul3A_630 : i32 to vector<16xi32>
        %mul3A_632 = arith.muli %add3A_629, %mul3A_631 : vector<16xi32>
        %add3A_633 = arith.addi %mul3A_632, %get3A_626 : vector<16xi32>
        tpu.vector_store_idx %arg4[%add3A_633], %broadcast_in_dim3A_1 : memref<10240xf32, #tpu.memory_space<vmem>>[vector<16xi32>], vector<16xf32>,
        %mul3A_634 = arith.constant 80 : i32
        %mul3A_635 = arith.muli %add3A_277, %mul3A_634 : i32
        %add3A_636 = arith.constant 64 : i32
        %add3A_637 = arith.addi %mul3A_635, %add3A_636 : i32
        %get3A_638 = arith.index_cast %add3A_637 : i32 to index
        %get3A_639 = tpu.vector_load %arg8[%get3A_638] {strides = array<i32>} : memref<3200xi32, #tpu.memory_space<vmem>>, vector<16xi32>,
        %add3A_640 = arith.constant 64 : i32
        %add3A_641 = vector.broadcast %add3A_640 : i32 to vector<16xi32>
        %add3A_642 = arith.addi %add3A_641, %iota3A : vector<16xi32>
        %mul3A_643 = arith.constant 128 : i32
        %mul3A_644 = vector.broadcast %mul3A_643 : i32 to vector<16xi32>
        %mul3A_645 = arith.muli %add3A_642, %mul3A_644 : vector<16xi32>
        %add3A_646 = arith.addi %mul3A_645, %get3A_639 : vector<16xi32>
        tpu.vector_store_idx %arg4[%add3A_646], %broadcast_in_dim3A_1 : memref<10240xf32, #tpu.memory_space<vmem>>[vector<16xi32>], vector<16xf32>,
        %add3A_647 = arith.addi %select_n3A, %add3A_277 : i32
        %mul3A_648 = arith.constant 10240 : i32
        %mul3A_649 = arith.muli %add3A_647, %mul3A_648 : i32
        %dma_start3A_650 = tpu.memref_slice %arg3[%mul3A_649] : memref<12800000xf32, #tpu.memory_space<hbm>> -> memref<10240xf32, #tpu.memory_space<hbm>>
        %dma_start3A_651 = tpu.memref_slice %arg3[%mul3A_649] : memref<12800000xf32, #tpu.memory_space<hbm>> -> memref<10240xf32, #tpu.memory_space<hbm>>
        tpu.enqueue_dma source(%arg4 : memref<10240xf32, #tpu.memory_space<vmem>>) target(%dma_start3A_651 : memref<10240xf32, #tpu.memory_space<hbm>>) target_semaphore(%arg10 : memref<!tpu.dma_semaphore, #tpu.memory_space<semaphore_mem>>)
      } else {
      }
      %add3A_351 = arith.constant 1 : i32
      %add3A_352 = arith.addi %add3A_275, %add3A_351 : i32
      %dma_wait3A_353 = arith.constant 0 : i32
      %dma_wait3A_354 = tpu.memref_slice %arg3[%dma_wait3A_353] : memref<12800000xf32, #tpu.memory_space<hbm>> -> memref<10240xf32, #tpu.memory_space<hbm>>
      %dma_wait3A_355 = arith.constant 0 : i32
      %dma_wait3A_356 = tpu.memref_slice %arg3[%dma_wait3A_355] : memref<12800000xf32, #tpu.memory_space<hbm>> -> memref<10240xf32, #tpu.memory_space<hbm>>
      tpu.wait_dma2 semaphore(%arg11 : memref<!tpu.dma_semaphore, #tpu.memory_space<semaphore_mem>>) src(%arg5 : memref<10240xf32, #tpu.memory_space<vmem>>) dst(%dma_wait3A_356 : memref<10240xf32, #tpu.memory_space<hbm>>)
      %sub3A_357 = arith.constant 4 : i32
      %sub3A_358 = arith.subi %add3A_352, %sub3A_357 : i32
      %mul3A_359 = arith.constant 80 : i32
      %mul3A_360 = arith.muli %sub3A_358, %mul3A_359 : i32
      %add3A_361 = arith.constant 0 : i32
      %add3A_362 = arith.addi %mul3A_360, %add3A_361 : i32
      %get3A_363 = arith.index_cast %add3A_362 : i32 to index
      %get3A_364 = tpu.vector_load %arg8[%get3A_363] {strides = array<i32>} : memref<3200xi32, #tpu.memory_space<vmem>>, vector<16xi32>,
      %add3A_365 = arith.constant 0 : i32
      %add3A_366 = vector.broadcast %add3A_365 : i32 to vector<16xi32>
      %add3A_367 = arith.addi %add3A_366, %iota3A : vector<16xi32>
      %mul3A_368 = arith.constant 128 : i32
      %mul3A_369 = vector.broadcast %mul3A_368 : i32 to vector<16xi32>
      %mul3A_370 = arith.muli %add3A_367, %mul3A_369 : vector<16xi32>
      %add3A_371 = arith.addi %mul3A_370, %get3A_364 : vector<16xi32>
      tpu.vector_store_idx %arg5[%add3A_371], %broadcast_in_dim3A_3 : memref<10240xf32, #tpu.memory_space<vmem>>[vector<16xi32>], vector<16xf32>,
      %mul3A_372 = arith.constant 80 : i32
      %mul3A_373 = arith.muli %sub3A_358, %mul3A_372 : i32
      %add3A_374 = arith.constant 16 : i32
      %add3A_375 = arith.addi %mul3A_373, %add3A_374 : i32
      %get3A_376 = arith.index_cast %add3A_375 : i32 to index
      %get3A_377 = tpu.vector_load %arg8[%get3A_376] {strides = array<i32>} : memref<3200xi32, #tpu.memory_space<vmem>>, vector<16xi32>,
      %add3A_378 = arith.constant 16 : i32
      %add3A_379 = vector.broadcast %add3A_378 : i32 to vector<16xi32>
      %add3A_380 = arith.addi %add3A_379, %iota3A : vector<16xi32>
      %mul3A_381 = arith.constant 128 : i32
      %mul3A_382 = vector.broadcast %mul3A_381 : i32 to vector<16xi32>
      %mul3A_383 = arith.muli %add3A_380, %mul3A_382 : vector<16xi32>
      %add3A_384 = arith.addi %mul3A_383, %get3A_377 : vector<16xi32>
      tpu.vector_store_idx %arg5[%add3A_384], %broadcast_in_dim3A_3 : memref<10240xf32, #tpu.memory_space<vmem>>[vector<16xi32>], vector<16xf32>,
      %mul3A_385 = arith.constant 80 : i32
      %mul3A_386 = arith.muli %sub3A_358, %mul3A_385 : i32
      %add3A_387 = arith.constant 32 : i32
      %add3A_388 = arith.addi %mul3A_386, %add3A_387 : i32
      %get3A_389 = arith.index_cast %add3A_388 : i32 to index
      %get3A_390 = tpu.vector_load %arg8[%get3A_389] {strides = array<i32>} : memref<3200xi32, #tpu.memory_space<vmem>>, vector<16xi32>,
      %add3A_391 = arith.constant 32 : i32
      %add3A_392 = vector.broadcast %add3A_391 : i32 to vector<16xi32>
      %add3A_393 = arith.addi %add3A_392, %iota3A : vector<16xi32>
      %mul3A_394 = arith.constant 128 : i32
      %mul3A_395 = vector.broadcast %mul3A_394 : i32 to vector<16xi32>
      %mul3A_396 = arith.muli %add3A_393, %mul3A_395 : vector<16xi32>
      %add3A_397 = arith.addi %mul3A_396, %get3A_390 : vector<16xi32>
      tpu.vector_store_idx %arg5[%add3A_397], %broadcast_in_dim3A_3 : memref<10240xf32, #tpu.memory_space<vmem>>[vector<16xi32>], vector<16xf32>,
      %mul3A_398 = arith.constant 80 : i32
      %mul3A_399 = arith.muli %sub3A_358, %mul3A_398 : i32
      %add3A_400 = arith.constant 48 : i32
      %add3A_401 = arith.addi %mul3A_399, %add3A_400 : i32
      %get3A_402 = arith.index_cast %add3A_401 : i32 to index
      %get3A_403 = tpu.vector_load %arg8[%get3A_402] {strides = array<i32>} : memref<3200xi32, #tpu.memory_space<vmem>>, vector<16xi32>,
      %add3A_404 = arith.constant 48 : i32
      %add3A_405 = vector.broadcast %add3A_404 : i32 to vector<16xi32>
      %add3A_406 = arith.addi %add3A_405, %iota3A : vector<16xi32>
      %mul3A_407 = arith.constant 128 : i32
      %mul3A_408 = vector.broadcast %mul3A_407 : i32 to vector<16xi32>
      %mul3A_409 = arith.muli %add3A_406, %mul3A_408 : vector<16xi32>
      %add3A_410 = arith.addi %mul3A_409, %get3A_403 : vector<16xi32>
      tpu.vector_store_idx %arg5[%add3A_410], %broadcast_in_dim3A_3 : memref<10240xf32, #tpu.memory_space<vmem>>[vector<16xi32>], vector<16xf32>,
      %mul3A_411 = arith.constant 80 : i32
      %mul3A_412 = arith.muli %sub3A_358, %mul3A_411 : i32
      %add3A_413 = arith.constant 64 : i32
      %add3A_414 = arith.addi %mul3A_412, %add3A_413 : i32
      %get3A_415 = arith.index_cast %add3A_414 : i32 to index
      %get3A_416 = tpu.vector_load %arg8[%get3A_415] {strides = array<i32>} : memref<3200xi32, #tpu.memory_space<vmem>>, vector<16xi32>,
      %add3A_417 = arith.constant 64 : i32
      %add3A_418 = vector.broadcast %add3A_417 : i32 to vector<16xi32>
      %add3A_419 = arith.addi %add3A_418, %iota3A : vector<16xi32>
      %mul3A_420 = arith.constant 128 : i32
      %mul3A_421 = vector.broadcast %mul3A_420 : i32 to vector<16xi32>
      %mul3A_422 = arith.muli %add3A_419, %mul3A_421 : vector<16xi32>
      %add3A_423 = arith.addi %mul3A_422, %get3A_416 : vector<16xi32>
      tpu.vector_store_idx %arg5[%add3A_423], %broadcast_in_dim3A_3 : memref<10240xf32, #tpu.memory_space<vmem>>[vector<16xi32>], vector<16xf32>,
      %lt3A_424 = arith.cmpi slt, %add3A_352, %select_n3A_12 : i32
      %convert_element_type3A_425 = arith.extui %lt3A_424 : i1 to i32
      %cond3A_426 = arith.constant 0 : i32
      %cond3A_427 = arith.cmpi ne, %convert_element_type3A_425, %cond3A_426 : i32
      scf.if %cond3A_427 {
        %mul3A_582 = arith.constant 80 : i32
        %mul3A_583 = arith.muli %add3A_352, %mul3A_582 : i32
        %add3A_584 = arith.constant 0 : i32
        %add3A_585 = arith.addi %mul3A_583, %add3A_584 : i32
        %get3A_586 = arith.index_cast %add3A_585 : i32 to index
        %get3A_587 = tpu.vector_load %arg8[%get3A_586] {strides = array<i32>} : memref<3200xi32, #tpu.memory_space<vmem>>, vector<16xi32>,
        %add3A_588 = arith.constant 0 : i32
        %add3A_589 = vector.broadcast %add3A_588 : i32 to vector<16xi32>
        %add3A_590 = arith.addi %add3A_589, %iota3A : vector<16xi32>
        %mul3A_591 = arith.constant 128 : i32
        %mul3A_592 = vector.broadcast %mul3A_591 : i32 to vector<16xi32>
        %mul3A_593 = arith.muli %add3A_590, %mul3A_592 : vector<16xi32>
        %add3A_594 = arith.addi %mul3A_593, %get3A_587 : vector<16xi32>
        tpu.vector_store_idx %arg5[%add3A_594], %broadcast_in_dim3A_1 : memref<10240xf32, #tpu.memory_space<vmem>>[vector<16xi32>], vector<16xf32>,
        %mul3A_595 = arith.constant 80 : i32
        %mul3A_596 = arith.muli %add3A_352, %mul3A_595 : i32
        %add3A_597 = arith.constant 16 : i32
        %add3A_598 = arith.addi %mul3A_596, %add3A_597 : i32
        %get3A_599 = arith.index_cast %add3A_598 : i32 to index
        %get3A_600 = tpu.vector_load %arg8[%get3A_599] {strides = array<i32>} : memref<3200xi32, #tpu.memory_space<vmem>>, vector<16xi32>,
        %add3A_601 = arith.constant 16 : i32
        %add3A_602 = vector.broadcast %add3A_601 : i32 to vector<16xi32>
        %add3A_603 = arith.addi %add3A_602, %iota3A : vector<16xi32>
        %mul3A_604 = arith.constant 128 : i32
        %mul3A_605 = vector.broadcast %mul3A_604 : i32 to vector<16xi32>
        %mul3A_606 = arith.muli %add3A_603, %mul3A_605 : vector<16xi32>
        %add3A_607 = arith.addi %mul3A_606, %get3A_600 : vector<16xi32>
        tpu.vector_store_idx %arg5[%add3A_607], %broadcast_in_dim3A_1 : memref<10240xf32, #tpu.memory_space<vmem>>[vector<16xi32>], vector<16xf32>,
        %mul3A_608 = arith.constant 80 : i32
        %mul3A_609 = arith.muli %add3A_352, %mul3A_608 : i32
        %add3A_610 = arith.constant 32 : i32
        %add3A_611 = arith.addi %mul3A_609, %add3A_610 : i32
        %get3A_612 = arith.index_cast %add3A_611 : i32 to index
        %get3A_613 = tpu.vector_load %arg8[%get3A_612] {strides = array<i32>} : memref<3200xi32, #tpu.memory_space<vmem>>, vector<16xi32>,
        %add3A_614 = arith.constant 32 : i32
        %add3A_615 = vector.broadcast %add3A_614 : i32 to vector<16xi32>
        %add3A_616 = arith.addi %add3A_615, %iota3A : vector<16xi32>
        %mul3A_617 = arith.constant 128 : i32
        %mul3A_618 = vector.broadcast %mul3A_617 : i32 to vector<16xi32>
        %mul3A_619 = arith.muli %add3A_616, %mul3A_618 : vector<16xi32>
        %add3A_620 = arith.addi %mul3A_619, %get3A_613 : vector<16xi32>
        tpu.vector_store_idx %arg5[%add3A_620], %broadcast_in_dim3A_1 : memref<10240xf32, #tpu.memory_space<vmem>>[vector<16xi32>], vector<16xf32>,
        %mul3A_621 = arith.constant 80 : i32
        %mul3A_622 = arith.muli %add3A_352, %mul3A_621 : i32
        %add3A_623 = arith.constant 48 : i32
        %add3A_624 = arith.addi %mul3A_622, %add3A_623 : i32
        %get3A_625 = arith.index_cast %add3A_624 : i32 to index
        %get3A_626 = tpu.vector_load %arg8[%get3A_625] {strides = array<i32>} : memref<3200xi32, #tpu.memory_space<vmem>>, vector<16xi32>,
        %add3A_627 = arith.constant 48 : i32
        %add3A_628 = vector.broadcast %add3A_627 : i32 to vector<16xi32>
        %add3A_629 = arith.addi %add3A_628, %iota3A : vector<16xi32>
        %mul3A_630 = arith.constant 128 : i32
        %mul3A_631 = vector.broadcast %mul3A_630 : i32 to vector<16xi32>
        %mul3A_632 = arith.muli %add3A_629, %mul3A_631 : vector<16xi32>
        %add3A_633 = arith.addi %mul3A_632, %get3A_626 : vector<16xi32>
        tpu.vector_store_idx %arg5[%add3A_633], %broadcast_in_dim3A_1 : memref<10240xf32, #tpu.memory_space<vmem>>[vector<16xi32>], vector<16xf32>,
        %mul3A_634 = arith.constant 80 : i32
        %mul3A_635 = arith.muli %add3A_352, %mul3A_634 : i32
        %add3A_636 = arith.constant 64 : i32
        %add3A_637 = arith.addi %mul3A_635, %add3A_636 : i32
        %get3A_638 = arith.index_cast %add3A_637 : i32 to index
        %get3A_639 = tpu.vector_load %arg8[%get3A_638] {strides = array<i32>} : memref<3200xi32, #tpu.memory_space<vmem>>, vector<16xi32>,
        %add3A_640 = arith.constant 64 : i32
        %add3A_641 = vector.broadcast %add3A_640 : i32 to vector<16xi32>
        %add3A_642 = arith.addi %add3A_641, %iota3A : vector<16xi32>
        %mul3A_643 = arith.constant 128 : i32
        %mul3A_644 = vector.broadcast %mul3A_643 : i32 to vector<16xi32>
        %mul3A_645 = arith.muli %add3A_642, %mul3A_644 : vector<16xi32>
        %add3A_646 = arith.addi %mul3A_645, %get3A_639 : vector<16xi32>
        tpu.vector_store_idx %arg5[%add3A_646], %broadcast_in_dim3A_1 : memref<10240xf32, #tpu.memory_space<vmem>>[vector<16xi32>], vector<16xf32>,
        %add3A_647 = arith.addi %select_n3A, %add3A_352 : i32
        %mul3A_648 = arith.constant 10240 : i32
        %mul3A_649 = arith.muli %add3A_647, %mul3A_648 : i32
        %dma_start3A_650 = tpu.memref_slice %arg3[%mul3A_649] : memref<12800000xf32, #tpu.memory_space<hbm>> -> memref<10240xf32, #tpu.memory_space<hbm>>
        %dma_start3A_651 = tpu.memref_slice %arg3[%mul3A_649] : memref<12800000xf32, #tpu.memory_space<hbm>> -> memref<10240xf32, #tpu.memory_space<hbm>>
        tpu.enqueue_dma source(%arg5 : memref<10240xf32, #tpu.memory_space<vmem>>) target(%dma_start3A_651 : memref<10240xf32, #tpu.memory_space<hbm>>) target_semaphore(%arg11 : memref<!tpu.dma_semaphore, #tpu.memory_space<semaphore_mem>>)
      } else {
      }
      %add3A_428 = arith.constant 2 : i32
      %add3A_429 = arith.addi %add3A_275, %add3A_428 : i32
      %dma_wait3A_430 = arith.constant 0 : i32
      %dma_wait3A_431 = tpu.memref_slice %arg3[%dma_wait3A_430] : memref<12800000xf32, #tpu.memory_space<hbm>> -> memref<10240xf32, #tpu.memory_space<hbm>>
      %dma_wait3A_432 = arith.constant 0 : i32
      %dma_wait3A_433 = tpu.memref_slice %arg3[%dma_wait3A_432] : memref<12800000xf32, #tpu.memory_space<hbm>> -> memref<10240xf32, #tpu.memory_space<hbm>>
      tpu.wait_dma2 semaphore(%arg12 : memref<!tpu.dma_semaphore, #tpu.memory_space<semaphore_mem>>) src(%arg6 : memref<10240xf32, #tpu.memory_space<vmem>>) dst(%dma_wait3A_433 : memref<10240xf32, #tpu.memory_space<hbm>>)
      %sub3A_434 = arith.constant 4 : i32
      %sub3A_435 = arith.subi %add3A_429, %sub3A_434 : i32
      %mul3A_436 = arith.constant 80 : i32
      %mul3A_437 = arith.muli %sub3A_435, %mul3A_436 : i32
      %add3A_438 = arith.constant 0 : i32
      %add3A_439 = arith.addi %mul3A_437, %add3A_438 : i32
      %get3A_440 = arith.index_cast %add3A_439 : i32 to index
      %get3A_441 = tpu.vector_load %arg8[%get3A_440] {strides = array<i32>} : memref<3200xi32, #tpu.memory_space<vmem>>, vector<16xi32>,
      %add3A_442 = arith.constant 0 : i32
      %add3A_443 = vector.broadcast %add3A_442 : i32 to vector<16xi32>
      %add3A_444 = arith.addi %add3A_443, %iota3A : vector<16xi32>
      %mul3A_445 = arith.constant 128 : i32
      %mul3A_446 = vector.broadcast %mul3A_445 : i32 to vector<16xi32>
      %mul3A_447 = arith.muli %add3A_444, %mul3A_446 : vector<16xi32>
      %add3A_448 = arith.addi %mul3A_447, %get3A_441 : vector<16xi32>
      tpu.vector_store_idx %arg6[%add3A_448], %broadcast_in_dim3A_3 : memref<10240xf32, #tpu.memory_space<vmem>>[vector<16xi32>], vector<16xf32>,
      %mul3A_449 = arith.constant 80 : i32
      %mul3A_450 = arith.muli %sub3A_435, %mul3A_449 : i32
      %add3A_451 = arith.constant 16 : i32
      %add3A_452 = arith.addi %mul3A_450, %add3A_451 : i32
      %get3A_453 = arith.index_cast %add3A_452 : i32 to index
      %get3A_454 = tpu.vector_load %arg8[%get3A_453] {strides = array<i32>} : memref<3200xi32, #tpu.memory_space<vmem>>, vector<16xi32>,
      %add3A_455 = arith.constant 16 : i32
      %add3A_456 = vector.broadcast %add3A_455 : i32 to vector<16xi32>
      %add3A_457 = arith.addi %add3A_456, %iota3A : vector<16xi32>
      %mul3A_458 = arith.constant 128 : i32
      %mul3A_459 = vector.broadcast %mul3A_458 : i32 to vector<16xi32>
      %mul3A_460 = arith.muli %add3A_457, %mul3A_459 : vector<16xi32>
      %add3A_461 = arith.addi %mul3A_460, %get3A_454 : vector<16xi32>
      tpu.vector_store_idx %arg6[%add3A_461], %broadcast_in_dim3A_3 : memref<10240xf32, #tpu.memory_space<vmem>>[vector<16xi32>], vector<16xf32>,
      %mul3A_462 = arith.constant 80 : i32
      %mul3A_463 = arith.muli %sub3A_435, %mul3A_462 : i32
      %add3A_464 = arith.constant 32 : i32
      %add3A_465 = arith.addi %mul3A_463, %add3A_464 : i32
      %get3A_466 = arith.index_cast %add3A_465 : i32 to index
      %get3A_467 = tpu.vector_load %arg8[%get3A_466] {strides = array<i32>} : memref<3200xi32, #tpu.memory_space<vmem>>, vector<16xi32>,
      %add3A_468 = arith.constant 32 : i32
      %add3A_469 = vector.broadcast %add3A_468 : i32 to vector<16xi32>
      %add3A_470 = arith.addi %add3A_469, %iota3A : vector<16xi32>
      %mul3A_471 = arith.constant 128 : i32
      %mul3A_472 = vector.broadcast %mul3A_471 : i32 to vector<16xi32>
      %mul3A_473 = arith.muli %add3A_470, %mul3A_472 : vector<16xi32>
      %add3A_474 = arith.addi %mul3A_473, %get3A_467 : vector<16xi32>
      tpu.vector_store_idx %arg6[%add3A_474], %broadcast_in_dim3A_3 : memref<10240xf32, #tpu.memory_space<vmem>>[vector<16xi32>], vector<16xf32>,
      %mul3A_475 = arith.constant 80 : i32
      %mul3A_476 = arith.muli %sub3A_435, %mul3A_475 : i32
      %add3A_477 = arith.constant 48 : i32
      %add3A_478 = arith.addi %mul3A_476, %add3A_477 : i32
      %get3A_479 = arith.index_cast %add3A_478 : i32 to index
      %get3A_480 = tpu.vector_load %arg8[%get3A_479] {strides = array<i32>} : memref<3200xi32, #tpu.memory_space<vmem>>, vector<16xi32>,
      %add3A_481 = arith.constant 48 : i32
      %add3A_482 = vector.broadcast %add3A_481 : i32 to vector<16xi32>
      %add3A_483 = arith.addi %add3A_482, %iota3A : vector<16xi32>
      %mul3A_484 = arith.constant 128 : i32
      %mul3A_485 = vector.broadcast %mul3A_484 : i32 to vector<16xi32>
      %mul3A_486 = arith.muli %add3A_483, %mul3A_485 : vector<16xi32>
      %add3A_487 = arith.addi %mul3A_486, %get3A_480 : vector<16xi32>
      tpu.vector_store_idx %arg6[%add3A_487], %broadcast_in_dim3A_3 : memref<10240xf32, #tpu.memory_space<vmem>>[vector<16xi32>], vector<16xf32>,
      %mul3A_488 = arith.constant 80 : i32
      %mul3A_489 = arith.muli %sub3A_435, %mul3A_488 : i32
      %add3A_490 = arith.constant 64 : i32
      %add3A_491 = arith.addi %mul3A_489, %add3A_490 : i32
      %get3A_492 = arith.index_cast %add3A_491 : i32 to index
      %get3A_493 = tpu.vector_load %arg8[%get3A_492] {strides = array<i32>} : memref<3200xi32, #tpu.memory_space<vmem>>, vector<16xi32>,
      %add3A_494 = arith.constant 64 : i32
      %add3A_495 = vector.broadcast %add3A_494 : i32 to vector<16xi32>
      %add3A_496 = arith.addi %add3A_495, %iota3A : vector<16xi32>
      %mul3A_497 = arith.constant 128 : i32
      %mul3A_498 = vector.broadcast %mul3A_497 : i32 to vector<16xi32>
      %mul3A_499 = arith.muli %add3A_496, %mul3A_498 : vector<16xi32>
      %add3A_500 = arith.addi %mul3A_499, %get3A_493 : vector<16xi32>
      tpu.vector_store_idx %arg6[%add3A_500], %broadcast_in_dim3A_3 : memref<10240xf32, #tpu.memory_space<vmem>>[vector<16xi32>], vector<16xf32>,
      %lt3A_501 = arith.cmpi slt, %add3A_429, %select_n3A_12 : i32
      %convert_element_type3A_502 = arith.extui %lt3A_501 : i1 to i32
      %cond3A_503 = arith.constant 0 : i32
      %cond3A_504 = arith.cmpi ne, %convert_element_type3A_502, %cond3A_503 : i32
      scf.if %cond3A_504 {
        %mul3A_582 = arith.constant 80 : i32
        %mul3A_583 = arith.muli %add3A_429, %mul3A_582 : i32
        %add3A_584 = arith.constant 0 : i32
        %add3A_585 = arith.addi %mul3A_583, %add3A_584 : i32
        %get3A_586 = arith.index_cast %add3A_585 : i32 to index
        %get3A_587 = tpu.vector_load %arg8[%get3A_586] {strides = array<i32>} : memref<3200xi32, #tpu.memory_space<vmem>>, vector<16xi32>,
        %add3A_588 = arith.constant 0 : i32
        %add3A_589 = vector.broadcast %add3A_588 : i32 to vector<16xi32>
        %add3A_590 = arith.addi %add3A_589, %iota3A : vector<16xi32>
        %mul3A_591 = arith.constant 128 : i32
        %mul3A_592 = vector.broadcast %mul3A_591 : i32 to vector<16xi32>
        %mul3A_593 = arith.muli %add3A_590, %mul3A_592 : vector<16xi32>
        %add3A_594 = arith.addi %mul3A_593, %get3A_587 : vector<16xi32>
        tpu.vector_store_idx %arg6[%add3A_594], %broadcast_in_dim3A_1 : memref<10240xf32, #tpu.memory_space<vmem>>[vector<16xi32>], vector<16xf32>,
        %mul3A_595 = arith.constant 80 : i32
        %mul3A_596 = arith.muli %add3A_429, %mul3A_595 : i32
        %add3A_597 = arith.constant 16 : i32
        %add3A_598 = arith.addi %mul3A_596, %add3A_597 : i32
        %get3A_599 = arith.index_cast %add3A_598 : i32 to index
        %get3A_600 = tpu.vector_load %arg8[%get3A_599] {strides = array<i32>} : memref<3200xi32, #tpu.memory_space<vmem>>, vector<16xi32>,
        %add3A_601 = arith.constant 16 : i32
        %add3A_602 = vector.broadcast %add3A_601 : i32 to vector<16xi32>
        %add3A_603 = arith.addi %add3A_602, %iota3A : vector<16xi32>
        %mul3A_604 = arith.constant 128 : i32
        %mul3A_605 = vector.broadcast %mul3A_604 : i32 to vector<16xi32>
        %mul3A_606 = arith.muli %add3A_603, %mul3A_605 : vector<16xi32>
        %add3A_607 = arith.addi %mul3A_606, %get3A_600 : vector<16xi32>
        tpu.vector_store_idx %arg6[%add3A_607], %broadcast_in_dim3A_1 : memref<10240xf32, #tpu.memory_space<vmem>>[vector<16xi32>], vector<16xf32>,
        %mul3A_608 = arith.constant 80 : i32
        %mul3A_609 = arith.muli %add3A_429, %mul3A_608 : i32
        %add3A_610 = arith.constant 32 : i32
        %add3A_611 = arith.addi %mul3A_609, %add3A_610 : i32
        %get3A_612 = arith.index_cast %add3A_611 : i32 to index
        %get3A_613 = tpu.vector_load %arg8[%get3A_612] {strides = array<i32>} : memref<3200xi32, #tpu.memory_space<vmem>>, vector<16xi32>,
        %add3A_614 = arith.constant 32 : i32
        %add3A_615 = vector.broadcast %add3A_614 : i32 to vector<16xi32>
        %add3A_616 = arith.addi %add3A_615, %iota3A : vector<16xi32>
        %mul3A_617 = arith.constant 128 : i32
        %mul3A_618 = vector.broadcast %mul3A_617 : i32 to vector<16xi32>
        %mul3A_619 = arith.muli %add3A_616, %mul3A_618 : vector<16xi32>
        %add3A_620 = arith.addi %mul3A_619, %get3A_613 : vector<16xi32>
        tpu.vector_store_idx %arg6[%add3A_620], %broadcast_in_dim3A_1 : memref<10240xf32, #tpu.memory_space<vmem>>[vector<16xi32>], vector<16xf32>,
        %mul3A_621 = arith.constant 80 : i32
        %mul3A_622 = arith.muli %add3A_429, %mul3A_621 : i32
        %add3A_623 = arith.constant 48 : i32
        %add3A_624 = arith.addi %mul3A_622, %add3A_623 : i32
        %get3A_625 = arith.index_cast %add3A_624 : i32 to index
        %get3A_626 = tpu.vector_load %arg8[%get3A_625] {strides = array<i32>} : memref<3200xi32, #tpu.memory_space<vmem>>, vector<16xi32>,
        %add3A_627 = arith.constant 48 : i32
        %add3A_628 = vector.broadcast %add3A_627 : i32 to vector<16xi32>
        %add3A_629 = arith.addi %add3A_628, %iota3A : vector<16xi32>
        %mul3A_630 = arith.constant 128 : i32
        %mul3A_631 = vector.broadcast %mul3A_630 : i32 to vector<16xi32>
        %mul3A_632 = arith.muli %add3A_629, %mul3A_631 : vector<16xi32>
        %add3A_633 = arith.addi %mul3A_632, %get3A_626 : vector<16xi32>
        tpu.vector_store_idx %arg6[%add3A_633], %broadcast_in_dim3A_1 : memref<10240xf32, #tpu.memory_space<vmem>>[vector<16xi32>], vector<16xf32>,
        %mul3A_634 = arith.constant 80 : i32
        %mul3A_635 = arith.muli %add3A_429, %mul3A_634 : i32
        %add3A_636 = arith.constant 64 : i32
        %add3A_637 = arith.addi %mul3A_635, %add3A_636 : i32
        %get3A_638 = arith.index_cast %add3A_637 : i32 to index
        %get3A_639 = tpu.vector_load %arg8[%get3A_638] {strides = array<i32>} : memref<3200xi32, #tpu.memory_space<vmem>>, vector<16xi32>,
        %add3A_640 = arith.constant 64 : i32
        %add3A_641 = vector.broadcast %add3A_640 : i32 to vector<16xi32>
        %add3A_642 = arith.addi %add3A_641, %iota3A : vector<16xi32>
        %mul3A_643 = arith.constant 128 : i32
        %mul3A_644 = vector.broadcast %mul3A_643 : i32 to vector<16xi32>
        %mul3A_645 = arith.muli %add3A_642, %mul3A_644 : vector<16xi32>
        %add3A_646 = arith.addi %mul3A_645, %get3A_639 : vector<16xi32>
        tpu.vector_store_idx %arg6[%add3A_646], %broadcast_in_dim3A_1 : memref<10240xf32, #tpu.memory_space<vmem>>[vector<16xi32>], vector<16xf32>,
        %add3A_647 = arith.addi %select_n3A, %add3A_429 : i32
        %mul3A_648 = arith.constant 10240 : i32
        %mul3A_649 = arith.muli %add3A_647, %mul3A_648 : i32
        %dma_start3A_650 = tpu.memref_slice %arg3[%mul3A_649] : memref<12800000xf32, #tpu.memory_space<hbm>> -> memref<10240xf32, #tpu.memory_space<hbm>>
        %dma_start3A_651 = tpu.memref_slice %arg3[%mul3A_649] : memref<12800000xf32, #tpu.memory_space<hbm>> -> memref<10240xf32, #tpu.memory_space<hbm>>
        tpu.enqueue_dma source(%arg6 : memref<10240xf32, #tpu.memory_space<vmem>>) target(%dma_start3A_651 : memref<10240xf32, #tpu.memory_space<hbm>>) target_semaphore(%arg12 : memref<!tpu.dma_semaphore, #tpu.memory_space<semaphore_mem>>)
      } else {
      }
      %add3A_505 = arith.constant 3 : i32
      %add3A_506 = arith.addi %add3A_275, %add3A_505 : i32
      %dma_wait3A_507 = arith.constant 0 : i32
      %dma_wait3A_508 = tpu.memref_slice %arg3[%dma_wait3A_507] : memref<12800000xf32, #tpu.memory_space<hbm>> -> memref<10240xf32, #tpu.memory_space<hbm>>
      %dma_wait3A_509 = arith.constant 0 : i32
      %dma_wait3A_510 = tpu.memref_slice %arg3[%dma_wait3A_509] : memref<12800000xf32, #tpu.memory_space<hbm>> -> memref<10240xf32, #tpu.memory_space<hbm>>
      tpu.wait_dma2 semaphore(%arg13 : memref<!tpu.dma_semaphore, #tpu.memory_space<semaphore_mem>>) src(%arg7 : memref<10240xf32, #tpu.memory_space<vmem>>) dst(%dma_wait3A_510 : memref<10240xf32, #tpu.memory_space<hbm>>)
      %sub3A_511 = arith.constant 4 : i32
      %sub3A_512 = arith.subi %add3A_506, %sub3A_511 : i32
      %mul3A_513 = arith.constant 80 : i32
      %mul3A_514 = arith.muli %sub3A_512, %mul3A_513 : i32
      %add3A_515 = arith.constant 0 : i32
      %add3A_516 = arith.addi %mul3A_514, %add3A_515 : i32
      %get3A_517 = arith.index_cast %add3A_516 : i32 to index
      %get3A_518 = tpu.vector_load %arg8[%get3A_517] {strides = array<i32>} : memref<3200xi32, #tpu.memory_space<vmem>>, vector<16xi32>,
      %add3A_519 = arith.constant 0 : i32
      %add3A_520 = vector.broadcast %add3A_519 : i32 to vector<16xi32>
      %add3A_521 = arith.addi %add3A_520, %iota3A : vector<16xi32>
      %mul3A_522 = arith.constant 128 : i32
      %mul3A_523 = vector.broadcast %mul3A_522 : i32 to vector<16xi32>
      %mul3A_524 = arith.muli %add3A_521, %mul3A_523 : vector<16xi32>
      %add3A_525 = arith.addi %mul3A_524, %get3A_518 : vector<16xi32>
      tpu.vector_store_idx %arg7[%add3A_525], %broadcast_in_dim3A_3 : memref<10240xf32, #tpu.memory_space<vmem>>[vector<16xi32>], vector<16xf32>,
      %mul3A_526 = arith.constant 80 : i32
      %mul3A_527 = arith.muli %sub3A_512, %mul3A_526 : i32
      %add3A_528 = arith.constant 16 : i32
      %add3A_529 = arith.addi %mul3A_527, %add3A_528 : i32
      %get3A_530 = arith.index_cast %add3A_529 : i32 to index
      %get3A_531 = tpu.vector_load %arg8[%get3A_530] {strides = array<i32>} : memref<3200xi32, #tpu.memory_space<vmem>>, vector<16xi32>,
      %add3A_532 = arith.constant 16 : i32
      %add3A_533 = vector.broadcast %add3A_532 : i32 to vector<16xi32>
      %add3A_534 = arith.addi %add3A_533, %iota3A : vector<16xi32>
      %mul3A_535 = arith.constant 128 : i32
      %mul3A_536 = vector.broadcast %mul3A_535 : i32 to vector<16xi32>
      %mul3A_537 = arith.muli %add3A_534, %mul3A_536 : vector<16xi32>
      %add3A_538 = arith.addi %mul3A_537, %get3A_531 : vector<16xi32>
      tpu.vector_store_idx %arg7[%add3A_538], %broadcast_in_dim3A_3 : memref<10240xf32, #tpu.memory_space<vmem>>[vector<16xi32>], vector<16xf32>,
      %mul3A_539 = arith.constant 80 : i32
      %mul3A_540 = arith.muli %sub3A_512, %mul3A_539 : i32
      %add3A_541 = arith.constant 32 : i32
      %add3A_542 = arith.addi %mul3A_540, %add3A_541 : i32
      %get3A_543 = arith.index_cast %add3A_542 : i32 to index
      %get3A_544 = tpu.vector_load %arg8[%get3A_543] {strides = array<i32>} : memref<3200xi32, #tpu.memory_space<vmem>>, vector<16xi32>,
      %add3A_545 = arith.constant 32 : i32
      %add3A_546 = vector.broadcast %add3A_545 : i32 to vector<16xi32>
      %add3A_547 = arith.addi %add3A_546, %iota3A : vector<16xi32>
      %mul3A_548 = arith.constant 128 : i32
      %mul3A_549 = vector.broadcast %mul3A_548 : i32 to vector<16xi32>
      %mul3A_550 = arith.muli %add3A_547, %mul3A_549 : vector<16xi32>
      %add3A_551 = arith.addi %mul3A_550, %get3A_544 : vector<16xi32>
      tpu.vector_store_idx %arg7[%add3A_551], %broadcast_in_dim3A_3 : memref<10240xf32, #tpu.memory_space<vmem>>[vector<16xi32>], vector<16xf32>,
      %mul3A_552 = arith.constant 80 : i32
      %mul3A_553 = arith.muli %sub3A_512, %mul3A_552 : i32
      %add3A_554 = arith.constant 48 : i32
      %add3A_555 = arith.addi %mul3A_553, %add3A_554 : i32
      %get3A_556 = arith.index_cast %add3A_555 : i32 to index
      %get3A_557 = tpu.vector_load %arg8[%get3A_556] {strides = array<i32>} : memref<3200xi32, #tpu.memory_space<vmem>>, vector<16xi32>,
      %add3A_558 = arith.constant 48 : i32
      %add3A_559 = vector.broadcast %add3A_558 : i32 to vector<16xi32>
      %add3A_560 = arith.addi %add3A_559, %iota3A : vector<16xi32>
      %mul3A_561 = arith.constant 128 : i32
      %mul3A_562 = vector.broadcast %mul3A_561 : i32 to vector<16xi32>
      %mul3A_563 = arith.muli %add3A_560, %mul3A_562 : vector<16xi32>
      %add3A_564 = arith.addi %mul3A_563, %get3A_557 : vector<16xi32>
      tpu.vector_store_idx %arg7[%add3A_564], %broadcast_in_dim3A_3 : memref<10240xf32, #tpu.memory_space<vmem>>[vector<16xi32>], vector<16xf32>,
      %mul3A_565 = arith.constant 80 : i32
      %mul3A_566 = arith.muli %sub3A_512, %mul3A_565 : i32
      %add3A_567 = arith.constant 64 : i32
      %add3A_568 = arith.addi %mul3A_566, %add3A_567 : i32
      %get3A_569 = arith.index_cast %add3A_568 : i32 to index
      %get3A_570 = tpu.vector_load %arg8[%get3A_569] {strides = array<i32>} : memref<3200xi32, #tpu.memory_space<vmem>>, vector<16xi32>,
      %add3A_571 = arith.constant 64 : i32
      %add3A_572 = vector.broadcast %add3A_571 : i32 to vector<16xi32>
      %add3A_573 = arith.addi %add3A_572, %iota3A : vector<16xi32>
      %mul3A_574 = arith.constant 128 : i32
      %mul3A_575 = vector.broadcast %mul3A_574 : i32 to vector<16xi32>
      %mul3A_576 = arith.muli %add3A_573, %mul3A_575 : vector<16xi32>
      %add3A_577 = arith.addi %mul3A_576, %get3A_570 : vector<16xi32>
      tpu.vector_store_idx %arg7[%add3A_577], %broadcast_in_dim3A_3 : memref<10240xf32, #tpu.memory_space<vmem>>[vector<16xi32>], vector<16xf32>,
      %lt3A_578 = arith.cmpi slt, %add3A_506, %select_n3A_12 : i32
      %convert_element_type3A_579 = arith.extui %lt3A_578 : i1 to i32
      %cond3A_580 = arith.constant 0 : i32
      %cond3A_581 = arith.cmpi ne, %convert_element_type3A_579, %cond3A_580 : i32
      scf.if %cond3A_581 {
        %mul3A_582 = arith.constant 80 : i32
        %mul3A_583 = arith.muli %add3A_506, %mul3A_582 : i32
        %add3A_584 = arith.constant 0 : i32
        %add3A_585 = arith.addi %mul3A_583, %add3A_584 : i32
        %get3A_586 = arith.index_cast %add3A_585 : i32 to index
        %get3A_587 = tpu.vector_load %arg8[%get3A_586] {strides = array<i32>} : memref<3200xi32, #tpu.memory_space<vmem>>, vector<16xi32>,
        %add3A_588 = arith.constant 0 : i32
        %add3A_589 = vector.broadcast %add3A_588 : i32 to vector<16xi32>
        %add3A_590 = arith.addi %add3A_589, %iota3A : vector<16xi32>
        %mul3A_591 = arith.constant 128 : i32
        %mul3A_592 = vector.broadcast %mul3A_591 : i32 to vector<16xi32>
        %mul3A_593 = arith.muli %add3A_590, %mul3A_592 : vector<16xi32>
        %add3A_594 = arith.addi %mul3A_593, %get3A_587 : vector<16xi32>
        tpu.vector_store_idx %arg7[%add3A_594], %broadcast_in_dim3A_1 : memref<10240xf32, #tpu.memory_space<vmem>>[vector<16xi32>], vector<16xf32>,
        %mul3A_595 = arith.constant 80 : i32
        %mul3A_596 = arith.muli %add3A_506, %mul3A_595 : i32
        %add3A_597 = arith.constant 16 : i32
        %add3A_598 = arith.addi %mul3A_596, %add3A_597 : i32
        %get3A_599 = arith.index_cast %add3A_598 : i32 to index
        %get3A_600 = tpu.vector_load %arg8[%get3A_599] {strides = array<i32>} : memref<3200xi32, #tpu.memory_space<vmem>>, vector<16xi32>,
        %add3A_601 = arith.constant 16 : i32
        %add3A_602 = vector.broadcast %add3A_601 : i32 to vector<16xi32>
        %add3A_603 = arith.addi %add3A_602, %iota3A : vector<16xi32>
        %mul3A_604 = arith.constant 128 : i32
        %mul3A_605 = vector.broadcast %mul3A_604 : i32 to vector<16xi32>
        %mul3A_606 = arith.muli %add3A_603, %mul3A_605 : vector<16xi32>
        %add3A_607 = arith.addi %mul3A_606, %get3A_600 : vector<16xi32>
        tpu.vector_store_idx %arg7[%add3A_607], %broadcast_in_dim3A_1 : memref<10240xf32, #tpu.memory_space<vmem>>[vector<16xi32>], vector<16xf32>,
        %mul3A_608 = arith.constant 80 : i32
        %mul3A_609 = arith.muli %add3A_506, %mul3A_608 : i32
        %add3A_610 = arith.constant 32 : i32
        %add3A_611 = arith.addi %mul3A_609, %add3A_610 : i32
        %get3A_612 = arith.index_cast %add3A_611 : i32 to index
        %get3A_613 = tpu.vector_load %arg8[%get3A_612] {strides = array<i32>} : memref<3200xi32, #tpu.memory_space<vmem>>, vector<16xi32>,
        %add3A_614 = arith.constant 32 : i32
        %add3A_615 = vector.broadcast %add3A_614 : i32 to vector<16xi32>
        %add3A_616 = arith.addi %add3A_615, %iota3A : vector<16xi32>
        %mul3A_617 = arith.constant 128 : i32
        %mul3A_618 = vector.broadcast %mul3A_617 : i32 to vector<16xi32>
        %mul3A_619 = arith.muli %add3A_616, %mul3A_618 : vector<16xi32>
        %add3A_620 = arith.addi %mul3A_619, %get3A_613 : vector<16xi32>
        tpu.vector_store_idx %arg7[%add3A_620], %broadcast_in_dim3A_1 : memref<10240xf32, #tpu.memory_space<vmem>>[vector<16xi32>], vector<16xf32>,
        %mul3A_621 = arith.constant 80 : i32
        %mul3A_622 = arith.muli %add3A_506, %mul3A_621 : i32
        %add3A_623 = arith.constant 48 : i32
        %add3A_624 = arith.addi %mul3A_622, %add3A_623 : i32
        %get3A_625 = arith.index_cast %add3A_624 : i32 to index
        %get3A_626 = tpu.vector_load %arg8[%get3A_625] {strides = array<i32>} : memref<3200xi32, #tpu.memory_space<vmem>>, vector<16xi32>,
        %add3A_627 = arith.constant 48 : i32
        %add3A_628 = vector.broadcast %add3A_627 : i32 to vector<16xi32>
        %add3A_629 = arith.addi %add3A_628, %iota3A : vector<16xi32>
        %mul3A_630 = arith.constant 128 : i32
        %mul3A_631 = vector.broadcast %mul3A_630 : i32 to vector<16xi32>
        %mul3A_632 = arith.muli %add3A_629, %mul3A_631 : vector<16xi32>
        %add3A_633 = arith.addi %mul3A_632, %get3A_626 : vector<16xi32>
        tpu.vector_store_idx %arg7[%add3A_633], %broadcast_in_dim3A_1 : memref<10240xf32, #tpu.memory_space<vmem>>[vector<16xi32>], vector<16xf32>,
        %mul3A_634 = arith.constant 80 : i32
        %mul3A_635 = arith.muli %add3A_506, %mul3A_634 : i32
        %add3A_636 = arith.constant 64 : i32
        %add3A_637 = arith.addi %mul3A_635, %add3A_636 : i32
        %get3A_638 = arith.index_cast %add3A_637 : i32 to index
        %get3A_639 = tpu.vector_load %arg8[%get3A_638] {strides = array<i32>} : memref<3200xi32, #tpu.memory_space<vmem>>, vector<16xi32>,
        %add3A_640 = arith.constant 64 : i32
        %add3A_641 = vector.broadcast %add3A_640 : i32 to vector<16xi32>
        %add3A_642 = arith.addi %add3A_641, %iota3A : vector<16xi32>
        %mul3A_643 = arith.constant 128 : i32
        %mul3A_644 = vector.broadcast %mul3A_643 : i32 to vector<16xi32>
        %mul3A_645 = arith.muli %add3A_642, %mul3A_644 : vector<16xi32>
        %add3A_646 = arith.addi %mul3A_645, %get3A_639 : vector<16xi32>
        tpu.vector_store_idx %arg7[%add3A_646], %broadcast_in_dim3A_1 : memref<10240xf32, #tpu.memory_space<vmem>>[vector<16xi32>], vector<16xf32>,
        %add3A_647 = arith.addi %select_n3A, %add3A_506 : i32
        %mul3A_648 = arith.constant 10240 : i32
        %mul3A_649 = arith.muli %add3A_647, %mul3A_648 : i32
        %dma_start3A_650 = tpu.memref_slice %arg3[%mul3A_649] : memref<12800000xf32, #tpu.memory_space<hbm>> -> memref<10240xf32, #tpu.memory_space<hbm>>
        %dma_start3A_651 = tpu.memref_slice %arg3[%mul3A_649] : memref<12800000xf32, #tpu.memory_space<hbm>> -> memref<10240xf32, #tpu.memory_space<hbm>>
        tpu.enqueue_dma source(%arg7 : memref<10240xf32, #tpu.memory_space<vmem>>) target(%dma_start3A_651 : memref<10240xf32, #tpu.memory_space<hbm>>) target_semaphore(%arg13 : memref<!tpu.dma_semaphore, #tpu.memory_space<semaphore_mem>>)
      } else {
      }
    }
    %scan3A_251 = arith.constant 9 : i32
    %gt3A = arith.constant 36 : i32
    %gt3A_252 = arith.cmpi sgt, %select_n3A_12, %gt3A : i32
    %convert_element_type3A_253 = arith.extui %gt3A_252 : i1 to i32
    %cond3A_254 = arith.constant 0 : i32
    %cond3A_255 = arith.cmpi ne, %convert_element_type3A_253, %cond3A_254 : i32
    scf.if %cond3A_255 {
      %dma_wait3A = arith.constant 0 : i32
      %dma_wait3A_271 = tpu.memref_slice %arg3[%dma_wait3A] : memref<12800000xf32, #tpu.memory_space<hbm>> -> memref<10240xf32, #tpu.memory_space<hbm>>
      %dma_wait3A_272 = arith.constant 0 : i32
      %dma_wait3A_273 = tpu.memref_slice %arg3[%dma_wait3A_272] : memref<12800000xf32, #tpu.memory_space<hbm>> -> memref<10240xf32, #tpu.memory_space<hbm>>
      tpu.wait_dma2 semaphore(%arg10 : memref<!tpu.dma_semaphore, #tpu.memory_space<semaphore_mem>>) src(%arg4 : memref<10240xf32, #tpu.memory_space<vmem>>) dst(%dma_wait3A_273 : memref<10240xf32, #tpu.memory_space<hbm>>)
    } else {
    }
    %gt3A_256 = arith.constant 37 : i32
    %gt3A_257 = arith.cmpi sgt, %select_n3A_12, %gt3A_256 : i32
    %convert_element_type3A_258 = arith.extui %gt3A_257 : i1 to i32
    %cond3A_259 = arith.constant 0 : i32
    %cond3A_260 = arith.cmpi ne, %convert_element_type3A_258, %cond3A_259 : i32
    scf.if %cond3A_260 {
      %dma_wait3A = arith.constant 0 : i32
      %dma_wait3A_271 = tpu.memref_slice %arg3[%dma_wait3A] : memref<12800000xf32, #tpu.memory_space<hbm>> -> memref<10240xf32, #tpu.memory_space<hbm>>
      %dma_wait3A_272 = arith.constant 0 : i32
      %dma_wait3A_273 = tpu.memref_slice %arg3[%dma_wait3A_272] : memref<12800000xf32, #tpu.memory_space<hbm>> -> memref<10240xf32, #tpu.memory_space<hbm>>
      tpu.wait_dma2 semaphore(%arg11 : memref<!tpu.dma_semaphore, #tpu.memory_space<semaphore_mem>>) src(%arg5 : memref<10240xf32, #tpu.memory_space<vmem>>) dst(%dma_wait3A_273 : memref<10240xf32, #tpu.memory_space<hbm>>)
    } else {
    }
    %gt3A_261 = arith.constant 38 : i32
    %gt3A_262 = arith.cmpi sgt, %select_n3A_12, %gt3A_261 : i32
    %convert_element_type3A_263 = arith.extui %gt3A_262 : i1 to i32
    %cond3A_264 = arith.constant 0 : i32
    %cond3A_265 = arith.cmpi ne, %convert_element_type3A_263, %cond3A_264 : i32
    scf.if %cond3A_265 {
      %dma_wait3A = arith.constant 0 : i32
      %dma_wait3A_271 = tpu.memref_slice %arg3[%dma_wait3A] : memref<12800000xf32, #tpu.memory_space<hbm>> -> memref<10240xf32, #tpu.memory_space<hbm>>
      %dma_wait3A_272 = arith.constant 0 : i32
      %dma_wait3A_273 = tpu.memref_slice %arg3[%dma_wait3A_272] : memref<12800000xf32, #tpu.memory_space<hbm>> -> memref<10240xf32, #tpu.memory_space<hbm>>
      tpu.wait_dma2 semaphore(%arg12 : memref<!tpu.dma_semaphore, #tpu.memory_space<semaphore_mem>>) src(%arg6 : memref<10240xf32, #tpu.memory_space<vmem>>) dst(%dma_wait3A_273 : memref<10240xf32, #tpu.memory_space<hbm>>)
    } else {
    }
    %gt3A_266 = arith.constant 39 : i32
    %gt3A_267 = arith.cmpi sgt, %select_n3A_12, %gt3A_266 : i32
    %convert_element_type3A_268 = arith.extui %gt3A_267 : i1 to i32
    %cond3A_269 = arith.constant 0 : i32
    %cond3A_270 = arith.cmpi ne, %convert_element_type3A_268, %cond3A_269 : i32
    scf.if %cond3A_270 {
      %dma_wait3A = arith.constant 0 : i32
      %dma_wait3A_271 = tpu.memref_slice %arg3[%dma_wait3A] : memref<12800000xf32, #tpu.memory_space<hbm>> -> memref<10240xf32, #tpu.memory_space<hbm>>
      %dma_wait3A_272 = arith.constant 0 : i32
      %dma_wait3A_273 = tpu.memref_slice %arg3[%dma_wait3A_272] : memref<12800000xf32, #tpu.memory_space<hbm>> -> memref<10240xf32, #tpu.memory_space<hbm>>
      tpu.wait_dma2 semaphore(%arg13 : memref<!tpu.dma_semaphore, #tpu.memory_space<semaphore_mem>>) src(%arg7 : memref<10240xf32, #tpu.memory_space<vmem>>) dst(%dma_wait3A_273 : memref<10240xf32, #tpu.memory_space<hbm>>)
    } else {
    }
    return
  }
}

</mosaic_0001>

<sc_bundles>
// kernel: _onehot_sc.3.cloned.1.call-start
scs
__scs_entry_jumppad:
0x0: {  	(pc) =	sbr.rel $0x88, $3  }
0x1: {  	(tag) =	ssettag $0x0;
	lr =	simm.s32 $0x1  }
0x2: {  	[smem:$0x3FA0] =	sst lr;
	_ =	strace $0xD0000000  }
0x3: {  	_ = 	snop  }
0x4: {  	_ = 	snop  }
0x5: {  	_ = 	snop  }
0x6: {  	_ = 	snop  }
0x7: {  	_ = 	snop  }
__scs_overlays_trampoline_lowered:
0x8: {  	[smem:$0x3FAF] =	sst s0  }
0x9: {  	[smem:$0x3FB0] =	sst s1  }
0xa: {  	[smem:$0x3FB1] =	sst s2  }
0xb: {  	[smem:$0x3FB2] =	sst s3  }
0xc: {  	[smem:$0x3FB3] =	sst s4  }
0xd: {  	[smem:$0x3FB4] =	sst s5  }
0xe: {  	[smem:$0x3FB5] =	sst s6  }
0xf: {  	[smem:$0x3FB6] =	sst s7  }
0x10: {  	[smem:$0x3FB7] =	sst s8  }
0x11: {  	[smem:$0x3FB8] =	sst s9;
	s0 =	simm.s32 @!p0 $0x0  }
0x12: {  	s1 =	sld [smem:$0x3F9E];
	s0 =	simm.s32 @p0 $0x1  }
0x13: {  	[smem:$0x3FB9] =	sst s0;
	s0 =	simm.s32 @!p1 $0x0  }
0x14: {  	s2 =	sld [smem:$0x3F9D];
	s0 =	simm.s32 @p1 $0x1  }
0x15: {  	[smem:$0x3FBA] =	sst s0;
	s0 =	simm.s32 @!p2 $0x0  }
0x16: {  	s3 =	sld [smem:$0x3FDB];
	s0 =	simm.s32 @p2 $0x1  }
0x17: {  	s4 =	simm.s32 $0x1BF5;
	[smem:$0x3FBC] =	sst s0  }
0x18: {  	s0 =	sld [smem:$0x3F9F];
	_ =	swait.ge [sflag:s4], $0x0  }
0x19: {  	s7 =	sld [smem:$0x3FA0]  }
0x1a: {  	s8 =	sadd.s32 $0xFFFFE003, lr  }
0x1b: {  	s9 =	sadd.s32 $0xFFFFFEF7, lr;
	s5 =	simm.s32 $0xFFFFFFFF;
	p2 =	slt.u32 s8, $0xFFFFF086  }
0x1c: {  	p1 =	slt.u32 s9, $0xF7A;
	s5 =	simm.s32 @!p2 $0x0  }
0x1d: {  	s5 =	simm.s32 @p1 $0x1;
	p0 =	seq.s32 s7, s2  }
0x1e: {  	s7 =	smul.u32 @!p0 $0xF7A, s2;
	p2 =	seq.s32 @!p0 s5, $0x0  }
0x1f: {  	s9 =	smul.u32 $0xF7A, s1;
	s8 =	simm.s32 @!p0 $0x1BF5;
	p2 =	por !p2, p0  }
0x20: {  	[sflag:s8] =	ssyncset.s32 @!p0 $0xFFFFF086;
	s6 =	sadd.s32 @!p0 s3, s7;
	s7 =	simm.s32 @!p0 $0x108  }
0x21: {  	s3 =	sadd.s32 s3, s9;
	s6 =	sadd.s32 @!p0 $0x88, s6;
	s7 =	simm.s32 @p2 $0x1082  }
0x22: {  	[simem:s7], [sflag:s8] =	dma.local @!p0 [hbm:s6], $0xF7A  }
0x23: {  	s9 =	sor.u32 $0xD0000000, s2;
	s6 =	simm.s32 $0x108;
	_ =	swait.ge @!p0 [sflag:s8], $0x0  }
0x24: {  	s3 =	sadd.s32 $0x88, s3;
	s6 =	simm.s32 @!p1 $0x1082;
	[sflag:s4] =	ssyncset.s32 $0xFFFFF086  }
0x25: {  	[simem:s6], [sflag:s4] =	dma.local [hbm:s3], $0xF7A  }
0x26: {  	[smem:$0x3FA0] =	sst s1;
	(tag) =	ssettag s2;
	_ =	strace s9  }
0x27: {  	s1 =	sld [smem:$0x3FB0]  }
0x28: {  	s2 =	sld [smem:$0x3FB1]  }
0x29: {  	s4 =	sld [smem:$0x3FB3]  }
0x2a: {  	p0 =	seq.s32 s5, $0x0;
	s5 =	sld [smem:$0x3FB4]  }
0x2b: {  	s6 =	sld [smem:$0x3FB5]  }
0x2c: {  	s7 =	sld [smem:$0x3FB6]  }
0x2d: {  	s3 =	simm.s32 $0x108;
	s8 =	sld [smem:$0x3FB7]  }
0x2e: {  	s3 =	simm.s32 @!p0 $0x1082;
	s9 =	sld [smem:$0x3FB8]  }
0x2f: {  	lr =	sadd.s32 s0, s3;
	s0 =	sld [smem:$0x3FAF]  }
0x30: {  	s3 =	sld [smem:$0x3FB2]  }
0x31: {  	[smem:$0x3FBB] =	sst s10  }
0x32: {  	s10 =	sld [smem:$0x3FB9];
	_ =	sdelay $0x3  }
0x33: {  	p0 =	seq.s32 s10, $0x1;
	s10 =	sld [smem:$0x3FBB];
	_ =	sdelay $0x3  }
0x34: {  	[smem:$0x3FBB] =	sst s10  }
0x35: {  	s10 =	sld [smem:$0x3FBA];
	_ =	sdelay $0x3  }
0x36: {  	p1 =	seq.s32 s10, $0x1;
	s10 =	sld [smem:$0x3FBB];
	_ =	sdelay $0x3  }
0x37: {  	[smem:$0x3FBB] =	sst s10  }
0x38: {  	s10 =	sld [smem:$0x3FBC]  }
0x39: {  	_ = 	snop;
	(pc) =	sbr.ind lr, $3  }
0x3a: {  	_ = 	snop  }
0x3b: {  	_ = 	snop  }
0x3c: {  	p2 =	seq.s32 s10, $0x1;
	s10 =	sld [smem:$0x3FBB]  }
0x3d: {  	_ =	shalt  }
0x3e: {  	_ =	shalt  }
0x3f: {  	_ =	shalt  }
0x40: {  	_ =	shalt  }
0x41: {  	_ =	shalt  }
0x42: {  	_ =	shalt  }
0x43: {  	_ =	shalt  }
0x44: {  	_ =	shalt  }
0x45: {  	_ =	shalt  }
0x46: {  	_ =	shalt  }
0x47: {  	_ =	shalt  }
0x48: {  	_ =	shalt  }
0x49: {  	_ =	shalt  }
0x4a: {  	_ =	shalt  }
0x4b: {  	_ =	shalt  }
0x4c: {  	_ =	shalt  }
0x4d: {  	_ =	shalt  }
0x4e: {  	_ =	shalt  }
0x4f: {  	_ =	shalt  }
0x50: {  	_ =	shalt  }
0x51: {  	_ =	shalt  }
0x52: {  	_ =	shalt  }
0x53: {  	_ =	shalt  }
0x54: {  	_ =	shalt  }
0x55: {  	_ =	shalt  }
0x56: {  	_ =	shalt  }
0x57: {  	_ =	shalt  }
0x58: {  	_ =	shalt  }
0x59: {  	_ =	shalt  }
0x5a: {  	_ =	shalt  }
0x5b: {  	_ =	shalt  }
0x5c: {  	_ =	shalt  }
0x5d: {  	_ =	shalt  }
0x5e: {  	_ =	shalt  }
0x5f: {  	_ =	shalt  }
0x60: {  	_ =	shalt  }
0x61: {  	_ =	shalt  }
0x62: {  	_ =	shalt  }
0x63: {  	_ =	shalt  }
0x64: {  	_ =	shalt  }
0x65: {  	_ =	shalt  }
0x66: {  	_ =	shalt  }
0x67: {  	_ =	shalt  }
0x68: {  	_ =	shalt  }
0x69: {  	_ =	shalt  }
0x6a: {  	_ =	shalt  }
0x6b: {  	_ =	shalt  }
0x6c: {  	_ =	shalt  }
0x6d: {  	_ =	shalt  }
0x6e: {  	_ =	shalt  }
0x6f: {  	_ =	shalt  }
0x70: {  	_ =	shalt  }
0x71: {  	_ =	shalt  }
0x72: {  	_ =	shalt  }
0x73: {  	_ =	shalt  }
0x74: {  	_ =	shalt  }
0x75: {  	_ =	shalt  }
0x76: {  	_ =	shalt  }
0x77: {  	_ =	shalt  }
0x78: {  	_ =	shalt  }
0x79: {  	_ =	shalt  }
0x7a: {  	_ =	shalt  }
0x7b: {  	_ =	shalt  }
0x7c: {  	_ =	shalt  }
0x7d: {  	_ =	shalt  }
0x7e: {  	_ =	shalt  }
0x7f: {  	_ =	shalt  }
0x80: {  	_ =	shalt  }
0x81: {  	_ =	shalt  }
0x82: {  	_ =	shalt  }
0x83: {  	_ =	shalt  }
0x84: {  	_ =	shalt  }
0x85: {  	_ =	shalt  }
0x86: {  	_ =	shalt  }
0x87: {  	_ =	shalt  }
.Lfunc_end0:
.L_simem_size_0:
called_computation_lowered:
.L_overlay_start_0:
0x88: {  	s2 =	sld [smem:$0x3FD9]  }
0x89: {  	s3 =	sld [smem:$0x3FFE];
	_ =	sdelay $0x1  }
0x8a: {  	s1 =	srdreg.scid  }
0x8b: {  	s0 =	sand.u32 $0x1, s1  }
0x8c: {  	s18 =	sshll.u32 s0, $0xA;
	s2 =	sadd.s32 s3, s2  }
0x8d: {  	s2 =	sadd.s32 s2, s18  }
0x8e: {  	[smem:$0x3FC7] =	sst s2  }
0x8f: {  	_ = 	snop  }
0x90: {  	s2 =	sld [smem:$0x3FC9]  }
0x91: {  	s19 =	sld [smem:$0x3FD0];
	(tm) =	ssettm $0x1  }
0x92: {  	s4 =	sld [smem:$0x3FFB];
	_ =	sdelay $0x3  }
0x93: {  	_ =	strace s4  }
0x94: {  	s4 =	sld [smem:$0x3FFC];
	_ =	sdelay $0x3  }
0x95: {  	_ =	strace s4  }
0x96: {  	s4 =	sld [smem:$0x3FFD];
	_ =	sdelay $0x3  }
0x97: {  	_ =	strace s4  }
0x98: {  	_ =	strace $0x8FFFFFFF  }
0x99: {  	s20 =	sld [smem:$0x3FDB];
	_ =	sdelay $0x1  }
0x9a: {  	s5 =	simm.s32 $_scs_section_size  }
0x9b: {  	s6 =	simm.s32 $_size__tile_overlayer_lowered;
	s7 =	simm.s32 $_tile_overlayer_lowered  }
0x9c: {  	s23 =	simm.s32 $0x1BFF;
	s22 =	sshll.u32 s7, $0x1;
	s4 =	sadd.s32 s5, s20  }
0x9d: {  	s8 =	simm.s32 $0x0;
	s21 =	sshll.u32 s6, $0x1;
	s6 =	sadd.s32 s22, s4  }
0x9e: {  	[timem:s8], [sflag:s23] =	dma.local [hbm:s6], s21  }
0x9f: {  	_ =	swait.ge [sflag:s23], s21  }
0xa0: {  	s5 =	ssub.s32 $0x0, s21;
	[sflag:s23] =	ssyncset.done $0x0  }
0xa1: {  	[sflag:s23] =	ssyncadd.s32 s5;
	_ =	sdelay $0x1  }
0xa2: {  	s24 =	simm.s32 $0x1B8B  }
0xa3: {  	_ =	swait.ge [sflag:s24], $0x1  }
0xa4: {  	[sflag:s24] =	ssyncset.done $0x0  }
0xa5: {  	s25 =	simm.s32 $0x1B8E;
	[sflag:s24] =	ssyncadd.s32 $0xFFFFFFFF  }
0xa6: {  	s26 =	simm.s32 $execute0_lowered;
	[smem:$0x3FD2] =	sst s25  }
0xa7: {  	s5 =	sshll.u32 s26, $0x1;
	_ =	strace $0x80000046;
	[dreg:$0x1] =	wrdreg $0xFFFFFFFF  }
0xa8: {  	s28 =	simm.s32 $_size_execute0_lowered;
	s4 =	sadd.s32 s4, s5;
	[dreg:$0x0] =	wrdreg $0x0  }
0xa9: {  	s5 =	sshll.u32 s28, $0x1;
	[dreg:$0x2] =	wrdreg s4  }
0xaa: {  	[dreg:$0x3] =	wrdreg s5  }
0xab: {  	[dreg:$0x4] =	wrdreg $0xC0  }
0xac: {  	_ =	task [dreg:s8], $0x5FFFF  }
0xad: {  	[dreg:$0x1] =	wrdreg $0xFFFFFFFF  }
0xae: {  	[dreg:$0x0] =	wrdreg $0x60  }
0xaf: {  	[dreg:$0x2] =	wrdreg s2  }
0xb0: {  	[dreg:$0x3] =	wrdreg s19  }
0xb1: {  	[dreg:$0x4] =	wrdreg $0x9  }
0xb2: {  	_ =	task.clear_ibuf [dreg:s8], $0x5FFFF;
	_ =	strace $0x90000046  }
0xb3: {  	s29 =	simm.s32 $0x9;
	_ =	strace $0x80000048  }
0xb4: {  	_ =	swait.ge [sflag:s29], $0x1  }
0xb5: {  	[sflag:s29] =	ssyncadd.s32 $0xFFFFFFFF  }
0xb6: {  	_ =	strace $0x90000048  }
0xb7: {  	_ =	sfence  }
0xb8: {  	s30 =	sld [smem:$0x0];
	_ =	sdelay $0x2  }
0xb9: {  	s31 =	sshll.u32 s1, $0xD;
	s1 =	sshrl.u32 s1, $0x2  }
0xba: {  	s3 =	sand.u32 $0x4000, s31;
	s1 =	sadd.s32 s1, s30  }
0xbb: {  	s0 =	sor.u32 s3, s0;
	s1 =	sshll.u32 s1, $0x11  }
0xbc: {  	s0 =	sor.u32 s1, s0  }
0xbd: {  	s0 =	sadd.s32 $0x8F2B, s0  }
0xbe: {  	[sflag:s0] =	ssyncadd.remote.s32 $0x1  }
0xbf: {  	_ =	sfence.sel $0xFFFF  }
0xc0: {  	[dreg:$0x0] =	wrdreg $0xFFFFFFFF;
	(pc) =	sbr.abs _section_cstart, $3  }
0xc1: {  	[dreg:$0x1] =	wrdreg $0xFFFFFFFF  }
0xc2: {  	_ =	task.clear_ibuf [dreg:s8], $0x2FFFF;
	_ =	strace $0x9FFFFFFF  }
0xc3: {  	(tm) =	ssettm $0x7FFFFFFF  }
tec
execute0_lowered:
.L_overlay_start_1:
0x0: {  	(tag) =	ssettag $0x1  }
0x1: {  	s0 =	srdreg.scid;
	s4 =	rddreg [dreg:$0x0]  }
0x2: {  	s11 =	stileid.u32;
	s5 =	rddreg [dreg:$0x1];
	s12 =	simm.s32 $0x5000  }
0x3: {  	s13 =	simm.s32 $0x7800;
	s14 =	simm.s32 $0x2;
	s15 =	simm.s32 $0x3  }
0x4: {  	s16 =	simm.s32 $0x4;
	s2 =	sand.u32 $0x1, s0;
	s28 =	sshll.u32 s11, $0x1  }
0x5: {  	s17 =	simm.s32 $0x5;
	s18 =	simm.s32 $0x0;
	s3 =	sor.u32 s2, s28  }
0x6: {  	s0 =	rddreg [dreg:$0x2];
	s2 =	ssub.s32 $0x2, s2;
	s1 =	smul.u32 $0x27, s3  }
0x7: {  	p0 =	seq.s32 s11, $0x0;
	s6 =	smul.u32 $0x28, s3;
	s29 =	sshrl.u32 s2, $0x1  }
0x8: {  	s30 =	smul.u32 $0x190, s3;
	s10 =	ssub.s32 s2, s29;
	s7 =	sadd.s32 $0x2, s1  }
0x9: {  	s2 =	simm.s32 $0x28;
	s8 =	smul.u32 $0xA, s7;
	s7 =	smov.u32 @p0 s6  }
0xa: {  	s1 =	simm.s32 $0x0;
	s2 =	simm.s32 @!p0 $0x27;
	s9 =	smul.u32 $0x2800, s7  }
0xb: {  	v0 =	vlaneseq.u32;
	[smem:$0x7FF] =	sst s1;
	p0 =	sne.s32 s11, $0x0;
	s11 =	simm.s32 $0x2800  }
0xc: {  	v0 =	vmul.u32 $0x80, v0;
	_ =	strace $0x80000047;
	s7 =	smul.u32 $0x500, s7;
	s9 =	sshrl.u32 s9, $0x3  }
0xd: {  	s3 =	sadd.s32 s4, s8;
	s4 =	sadd.s32 s4, s30;
	s31 =	sadd.s32 s5, s9  }
0xe: {  	v1 =	vimm.f32 $0.0e+00;
	v2 =	vimm.f32 $1.000000000e+00;
	v3 =	vor.u32 $0x800, v0;
	s5 =	sadd.s32 s5, s7;
	s9 =	smax.u32 s10, $0x1;
	s6 =	sadd.s32 $0x500, s31  }
0xf: {  	v4 =	vor.u32 $0x1000, v0;
	v5 =	vor.u32 $0x1800, v0;
	v6 =	vor.u32 $0x2000, v0;
	s7 =	sadd.s32 $0xA00, s31;
	s8 =	sadd.s32 $0xF00, s31;
	s10 =	sadd.s32 $0x2300, s5  }
.LBB2_1:
0x10: {  	s19 =	simm.s32 @p0 $0x0;
	s20 =	simm.s32 @p0 $0xA000  }
0x11: {  	[tilespmem:s20], [sflag:$0x1] =	stream.linear.gather @p0 [hbm4b:s3+s19], $0xC30, $0x38;
	[tilespmem:$0xAC80] =	vst v63  }
0x12: {  	s19 =	simm.s32 @!p0 $0x0;
	s20 =	simm.s32 @!p0 $0xA000  }
0x13: {  	[tilespmem:s20], [sflag:$0x1] =	stream.linear.gather @!p0 [hbm4b:s4+s19], $0xC80, $0x38;
	[tilespmem:$0xAC80] =	vst v63  }
0x14: {  	s19 =	simm.s32 $0x0;
	s20 =	simm.s32 $0x200  }
.LBB2_2:
0x15: {  	p1 =	sne.s32 s20, $0x9E00;
	[tilespmem:s19+$0x70] =	vst v1  }
0x16: {  	[tilespmem:s19+$0x0] =	vst v1  }
0x17: {  	[tilespmem:s19+$0x10] =	vst v1  }
.Ltmp0:
0x18: {  	[tilespmem:s19+$0x20] =	vst v1;
	(pc) =	sbr.rel @p1 .LBB2_2-.Ltmp0, $4  }
0x19: {  	[tilespmem:s19+$0x30] =	vst v1  }
0x1a: {  	[tilespmem:s19+$0x40] =	vst v1  }
0x1b: {  	[tilespmem:s19+$0x50] =	vst v1  }
0x1c: {  	[tilespmem:s19+$0x60] =	vst v1;
	s19 =	sshra.s32 s20, $0x2;
	s20 =	sadd.s32 $0x200, s20  }
0x1d: {  	[tilespmem:s19+$0x70] =	vst v1  }
0x1e: {  	[tilespmem:s19+$0x0] =	vst v1  }
0x1f: {  	[tilespmem:s19+$0x10] =	vst v1  }
0x20: {  	[tilespmem:s19+$0x20] =	vst v1  }
0x21: {  	[tilespmem:s19+$0x30] =	vst v1  }
0x22: {  	[tilespmem:s19+$0x40] =	vst v1  }
0x23: {  	[tilespmem:s19+$0x50] =	vst v1  }
0x24: {  	[tilespmem:s19+$0x60] =	vst v1;
	s19 =	simm.s32 @p0 $0x1  }
0x25: {  	_ =	swait.ge @p0 [sflag:s19], $0xC30  }
0x26: {  	[sflag:s19] =	ssyncset.done @p0 $0x0  }
0x27: {  	[sflag:s19] =	ssyncadd.s32 @p0 $0xFFFFF3D0;
	s19 =	simm.s32 @!p0 $0x1  }
0x28: {  	_ =	swait.ge @!p0 [sflag:s19], $0xC80  }
0x29: {  	[sflag:s19] =	ssyncset.done @!p0 $0x0  }
0x2a: {  	[sflag:s19] =	ssyncadd.s32 @!p0 $0xFFFFF380  }
0x2b: {  	v7 =	vld [tilespmem:$0xA000];
	_ =	sdelay $0x4  }
0x2c: {  	v7 =	vadd.s32 v0, v7;
	_ =	sdelay $0x3  }
0x2d: {  	s31 =	simm.s32 $0x0  }
0x2e: {  	[tilespmem:v7+s31+$0x0] =	vst.idx.msk $0xffff, v2  }
0x2f: {  	v7 =	vld [tilespmem:$0xA010];
	_ =	sdelay $0x4  }
0x30: {  	v7 =	vadd.s32 v3, v7;
	_ =	sdelay $0x4  }
0x31: {  	[tilespmem:v7+s31+$0x0] =	vst.idx.msk $0xffff, v2  }
0x32: {  	v7 =	vld [tilespmem:$0xA020];
	_ =	sdelay $0x4  }
0x33: {  	v7 =	vadd.s32 v4, v7;
	_ =	sdelay $0x4  }
0x34: {  	[tilespmem:v7+s31+$0x0] =	vst.idx.msk $0xffff, v2  }
0x35: {  	v7 =	vld [tilespmem:$0xA030];
	_ =	sdelay $0x4  }
0x36: {  	v7 =	vadd.s32 v5, v7;
	_ =	sdelay $0x4  }
0x37: {  	[tilespmem:v7+s31+$0x0] =	vst.idx.msk $0xffff, v2  }
0x38: {  	v7 =	vld [tilespmem:$0xA040];
	_ =	sdelay $0x4  }
0x39: {  	v7 =	vadd.s32 v6, v7;
	_ =	sdelay $0x4  }
0x3a: {  	s20 =	simm.s32 $0x200;
	s19 =	simm.s32 $0x0;
	[tilespmem:v7+s31+$0x0] =	vst.idx.msk $0xffff, v2  }
0x3b: {  	[hbm4b:s5+s31] =	stream.linear.scatter [tilespmem:s31], [sflag:$0x2], $0x2800, $0x38;
	[tilespmem:$0xAC80] =	vst v63  }
.LBB2_4:
0x3c: {  	p1 =	sne.s32 s20, $0x9E00;
	[tilespmem:s19+$0x2870] =	vst v1  }
0x3d: {  	[tilespmem:s19+$0x2800] =	vst v1  }
0x3e: {  	[tilespmem:s19+$0x2810] =	vst v1  }
.Ltmp1:
0x3f: {  	[tilespmem:s19+$0x2820] =	vst v1;
	(pc) =	sbr.rel @p1 .LBB2_4-.Ltmp1, $4  }
0x40: {  	[tilespmem:s19+$0x2830] =	vst v1  }
0x41: {  	[tilespmem:s19+$0x2840] =	vst v1  }
0x42: {  	[tilespmem:s19+$0x2850] =	vst v1  }
0x43: {  	[tilespmem:s19+$0x2860] =	vst v1;
	s19 =	sshra.s32 s20, $0x2;
	s20 =	sadd.s32 $0x200, s20  }
0x44: {  	[tilespmem:s19+$0x2870] =	vst v1  }
0x45: {  	[tilespmem:s19+$0x2800] =	vst v1  }
0x46: {  	[tilespmem:s19+$0x2810] =	vst v1  }
0x47: {  	[tilespmem:s19+$0x2820] =	vst v1  }
0x48: {  	[tilespmem:s19+$0x2830] =	vst v1  }
0x49: {  	[tilespmem:s19+$0x2840] =	vst v1  }
0x4a: {  	[tilespmem:s19+$0x2850] =	vst v1  }
0x4b: {  	[tilespmem:s19+$0x2860] =	vst v1  }
0x4c: {  	v7 =	vld [tilespmem:$0xA050];
	_ =	sdelay $0x4  }
0x4d: {  	v7 =	vadd.s32 v0, v7;
	_ =	sdelay $0x4  }
0x4e: {  	[tilespmem:v7+s11+$0x0] =	vst.idx.msk $0xffff, v2  }
0x4f: {  	v7 =	vld [tilespmem:$0xA060];
	_ =	sdelay $0x4  }
0x50: {  	v7 =	vadd.s32 v3, v7;
	_ =	sdelay $0x4  }
0x51: {  	[tilespmem:v7+s11+$0x0] =	vst.idx.msk $0xffff, v2  }
0x52: {  	v7 =	vld [tilespmem:$0xA070];
	_ =	sdelay $0x4  }
0x53: {  	v7 =	vadd.s32 v4, v7;
	_ =	sdelay $0x4  }
0x54: {  	[tilespmem:v7+s11+$0x0] =	vst.idx.msk $0xffff, v2  }
0x55: {  	v7 =	vld [tilespmem:$0xA080];
	_ =	sdelay $0x4  }
0x56: {  	v7 =	vadd.s32 v5, v7;
	_ =	sdelay $0x4  }
0x57: {  	[tilespmem:v7+s11+$0x0] =	vst.idx.msk $0xffff, v2  }
0x58: {  	v7 =	vld [tilespmem:$0xA090];
	_ =	sdelay $0x4  }
0x59: {  	v7 =	vadd.s32 v6, v7;
	_ =	sdelay $0x4  }
0x5a: {  	s31 =	simm.s32 $0x0;
	s19 =	simm.s32 $0x0;
	s20 =	simm.s32 $0x200;
	[tilespmem:v7+s11+$0x0] =	vst.idx.msk $0xffff, v2  }
0x5b: {  	[hbm4b:s6+s31] =	stream.linear.scatter [tilespmem:s11], [sflag:$0x3], $0x2800, $0x38;
	[tilespmem:$0xAC80] =	vst v63  }
.LBB2_6:
0x5c: {  	p1 =	sne.s32 s20, $0x9E00;
	[tilespmem:s19+$0x5070] =	vst v1  }
0x5d: {  	[tilespmem:s19+$0x5000] =	vst v1  }
0x5e: {  	[tilespmem:s19+$0x5010] =	vst v1  }
.Ltmp2:
0x5f: {  	[tilespmem:s19+$0x5020] =	vst v1;
	(pc) =	sbr.rel @p1 .LBB2_6-.Ltmp2, $4  }
0x60: {  	[tilespmem:s19+$0x5030] =	vst v1  }
0x61: {  	[tilespmem:s19+$0x5040] =	vst v1  }
0x62: {  	[tilespmem:s19+$0x5050] =	vst v1  }
0x63: {  	[tilespmem:s19+$0x5060] =	vst v1;
	s19 =	sshra.s32 s20, $0x2;
	s20 =	sadd.s32 $0x200, s20  }
0x64: {  	[tilespmem:s19+$0x5070] =	vst v1  }
0x65: {  	[tilespmem:s19+$0x5000] =	vst v1  }
0x66: {  	[tilespmem:s19+$0x5010] =	vst v1  }
0x67: {  	[tilespmem:s19+$0x5020] =	vst v1  }
0x68: {  	[tilespmem:s19+$0x5030] =	vst v1  }
0x69: {  	[tilespmem:s19+$0x5040] =	vst v1  }
0x6a: {  	[tilespmem:s19+$0x5050] =	vst v1  }
0x6b: {  	[tilespmem:s19+$0x5060] =	vst v1  }
0x6c: {  	v7 =	vld [tilespmem:$0xA0A0];
	_ =	sdelay $0x4  }
0x6d: {  	v7 =	vadd.s32 v0, v7;
	_ =	sdelay $0x4  }
0x6e: {  	[tilespmem:v7+s12+$0x0] =	vst.idx.msk $0xffff, v2  }
0x6f: {  	v7 =	vld [tilespmem:$0xA0B0];
	_ =	sdelay $0x4  }
0x70: {  	v7 =	vadd.s32 v3, v7;
	_ =	sdelay $0x4  }
0x71: {  	[tilespmem:v7+s12+$0x0] =	vst.idx.msk $0xffff, v2  }
0x72: {  	v7 =	vld [tilespmem:$0xA0C0];
	_ =	sdelay $0x4  }
0x73: {  	v7 =	vadd.s32 v4, v7;
	_ =	sdelay $0x4  }
0x74: {  	[tilespmem:v7+s12+$0x0] =	vst.idx.msk $0xffff, v2  }
0x75: {  	v7 =	vld [tilespmem:$0xA0D0];
	_ =	sdelay $0x4  }
0x76: {  	v7 =	vadd.s32 v5, v7;
	_ =	sdelay $0x4  }
0x77: {  	[tilespmem:v7+s12+$0x0] =	vst.idx.msk $0xffff, v2  }
0x78: {  	v7 =	vld [tilespmem:$0xA0E0];
	_ =	sdelay $0x4  }
0x79: {  	v7 =	vadd.s32 v6, v7;
	_ =	sdelay $0x4  }
0x7a: {  	s31 =	simm.s32 $0x0;
	s19 =	simm.s32 $0x0;
	s20 =	simm.s32 $0x200;
	[tilespmem:v7+s12+$0x0] =	vst.idx.msk $0xffff, v2  }
0x7b: {  	[hbm4b:s7+s31] =	stream.linear.scatter [tilespmem:s12], [sflag:$0x4], $0x2800, $0x38;
	[tilespmem:$0xAC80] =	vst v63  }
.LBB2_8:
0x7c: {  	p1 =	sne.s32 s20, $0x9E00;
	[tilespmem:s19+$0x7870] =	vst v1  }
0x7d: {  	[tilespmem:s19+$0x7800] =	vst v1  }
0x7e: {  	[tilespmem:s19+$0x7810] =	vst v1  }
.Ltmp3:
0x7f: {  	[tilespmem:s19+$0x7820] =	vst v1;
	(pc) =	sbr.rel @p1 .LBB2_8-.Ltmp3, $4  }
0x80: {  	[tilespmem:s19+$0x7830] =	vst v1  }
0x81: {  	[tilespmem:s19+$0x7840] =	vst v1  }
0x82: {  	[tilespmem:s19+$0x7850] =	vst v1  }
0x83: {  	[tilespmem:s19+$0x7860] =	vst v1;
	s19 =	sshra.s32 s20, $0x2;
	s20 =	sadd.s32 $0x200, s20  }
0x84: {  	[tilespmem:s19+$0x7870] =	vst v1  }
0x85: {  	[tilespmem:s19+$0x7800] =	vst v1  }
0x86: {  	[tilespmem:s19+$0x7810] =	vst v1  }
0x87: {  	[tilespmem:s19+$0x7820] =	vst v1  }
0x88: {  	[tilespmem:s19+$0x7830] =	vst v1  }
0x89: {  	[tilespmem:s19+$0x7840] =	vst v1  }
0x8a: {  	[tilespmem:s19+$0x7850] =	vst v1  }
0x8b: {  	[tilespmem:s19+$0x7860] =	vst v1  }
0x8c: {  	v7 =	vld [tilespmem:$0xA0F0];
	_ =	sdelay $0x4  }
0x8d: {  	v7 =	vadd.s32 v0, v7;
	_ =	sdelay $0x4  }
0x8e: {  	[tilespmem:v7+s13+$0x0] =	vst.idx.msk $0xffff, v2  }
0x8f: {  	v7 =	vld [tilespmem:$0xA100];
	_ =	sdelay $0x4  }
0x90: {  	v7 =	vadd.s32 v3, v7;
	_ =	sdelay $0x4  }
0x91: {  	[tilespmem:v7+s13+$0x0] =	vst.idx.msk $0xffff, v2  }
0x92: {  	v7 =	vld [tilespmem:$0xA110];
	_ =	sdelay $0x4  }
0x93: {  	v7 =	vadd.s32 v4, v7;
	_ =	sdelay $0x4  }
0x94: {  	[tilespmem:v7+s13+$0x0] =	vst.idx.msk $0xffff, v2  }
0x95: {  	v7 =	vld [tilespmem:$0xA120];
	_ =	sdelay $0x4  }
0x96: {  	v7 =	vadd.s32 v5, v7;
	_ =	sdelay $0x4  }
0x97: {  	[tilespmem:v7+s13+$0x0] =	vst.idx.msk $0xffff, v2  }
0x98: {  	v7 =	vld [tilespmem:$0xA130];
	_ =	sdelay $0x4  }
0x99: {  	v7 =	vadd.s32 v6, v7;
	_ =	sdelay $0x4  }
0x9a: {  	s19 =	simm.s32 $0x7;
	s20 =	simm.s32 $0xA140;
	s21 =	smov.u32 s10;
	[tilespmem:v7+s13+$0x0] =	vst.idx.msk $0xffff, v2  }
0x9b: {  	[hbm4b:s8+s1] =	stream.linear.scatter [tilespmem:s13], [sflag:$0x5], $0x2800, $0x38;
	[tilespmem:$0xAC80] =	vst v63  }
.LBB2_10:
0x9c: {  	_ =	swait.ge [sflag:s14], $0x2800  }
0x9d: {  	[sflag:s14] =	ssyncset.done $0x0  }
0x9e: {  	[sflag:s14] =	ssyncadd.s32 $0xFFFFD800  }
0x9f: {  	v7 =	vld [tilespmem:s20+$0xFFFFFEC0];
	_ =	sdelay $0x4  }
0xa0: {  	v7 =	vadd.s32 v0, v7;
	_ =	sdelay $0x4  }
0xa1: {  	[tilespmem:v7+s1+$0x0] =	vst.idx.msk $0xffff, v1  }
0xa2: {  	v7 =	vld [tilespmem:s20+$0xFFFFFED0];
	_ =	sdelay $0x4  }
0xa3: {  	v7 =	vadd.s32 v3, v7;
	_ =	sdelay $0x4  }
0xa4: {  	[tilespmem:v7+s1+$0x0] =	vst.idx.msk $0xffff, v1  }
0xa5: {  	v7 =	vld [tilespmem:s20+$0xFFFFFEE0];
	_ =	sdelay $0x4  }
0xa6: {  	v7 =	vadd.s32 v4, v7;
	_ =	sdelay $0x4  }
0xa7: {  	[tilespmem:v7+s1+$0x0] =	vst.idx.msk $0xffff, v1  }
0xa8: {  	v7 =	vld [tilespmem:s20+$0xFFFFFEF0];
	_ =	sdelay $0x4  }
0xa9: {  	v7 =	vadd.s32 v5, v7;
	_ =	sdelay $0x4  }
0xaa: {  	[tilespmem:v7+s1+$0x0] =	vst.idx.msk $0xffff, v1  }
0xab: {  	v7 =	vld [tilespmem:s20+$0xFFFFFF00];
	_ =	sdelay $0x4  }
0xac: {  	v7 =	vadd.s32 v6, v7;
	_ =	sdelay $0x3  }
0xad: {  	s22 =	sadd.s32 $0xFFFFFFFD, s19  }
0xae: {  	p1 =	sge.u32 s22, s2;
	[tilespmem:v7+s1+$0x0] =	vst.idx.msk $0xffff, v1  }
0xaf: {  	v7 =	vld @!p1 [tilespmem:s20+$0x0];
	_ =	sdelay $0x1  }
0xb0: {  	v8 =	vlaneseq.u32 @!p1  }
0xb1: {  	v8 =	vmul.u32 @!p1 $0x80, v8;
	_ =	sdelay $0x1  }
0xb2: {  	v7 =	vadd.s32 @!p1 v8, v7;
	_ =	sdelay $0x3  }
0xb3: {  	v9 =	vimm.f32 @!p1 $1.000000000e+00;
	s22 =	simm.s32 @!p1 $0x0  }
0xb4: {  	[tilespmem:v7+s22+$0x0] =	vst.idx.msk @!p1 $0xffff, v9  }
0xb5: {  	v7 =	vld @!p1 [tilespmem:s20+$0x10];
	_ =	sdelay $0x3  }
0xb6: {  	v10 =	vor.u32 @!p1 $0x800, v8  }
0xb7: {  	v7 =	vadd.s32 @!p1 v10, v7;
	_ =	sdelay $0x4  }
0xb8: {  	[tilespmem:v7+s22+$0x0] =	vst.idx.msk @!p1 $0xffff, v9  }
0xb9: {  	v7 =	vld @!p1 [tilespmem:s20+$0x20];
	_ =	sdelay $0x3  }
0xba: {  	v10 =	vor.u32 @!p1 $0x1000, v8  }
0xbb: {  	v7 =	vadd.s32 @!p1 v10, v7;
	_ =	sdelay $0x4  }
0xbc: {  	[tilespmem:v7+s22+$0x0] =	vst.idx.msk @!p1 $0xffff, v9  }
0xbd: {  	v7 =	vld @!p1 [tilespmem:s20+$0x30];
	_ =	sdelay $0x3  }
0xbe: {  	v10 =	vor.u32 @!p1 $0x1800, v8  }
0xbf: {  	v7 =	vadd.s32 @!p1 v10, v7;
	_ =	sdelay $0x4  }
0xc0: {  	[tilespmem:v7+s22+$0x0] =	vst.idx.msk @!p1 $0xffff, v9  }
0xc1: {  	v7 =	vld @!p1 [tilespmem:s20+$0x40];
	_ =	sdelay $0x3  }
0xc2: {  	v8 =	vor.u32 @!p1 $0x2000, v8  }
0xc3: {  	v7 =	vadd.s32 @!p1 v8, v7;
	_ =	sdelay $0x4  }
0xc4: {  	s23 =	sadd.s32 @!p1 $0xFFFFF100, s21;
	[tilespmem:v7+s22+$0x0] =	vst.idx.msk @!p1 $0xffff, v9  }
0xc5: {  	[hbm4b:s23+s22] =	stream.linear.scatter @!p1 [tilespmem:s22], [sflag:$0x2], $0x2800, $0x38;
	[tilespmem:$0xAC80] =	vst v63  }
0xc6: {  	_ =	swait.ge [sflag:s15], $0x2800  }
0xc7: {  	[sflag:s15] =	ssyncset.done $0x0  }
0xc8: {  	[sflag:s15] =	ssyncadd.s32 $0xFFFFD800  }
0xc9: {  	v7 =	vld [tilespmem:s20+$0xFFFFFF10];
	_ =	sdelay $0x4  }
0xca: {  	v7 =	vadd.s32 v0, v7;
	_ =	sdelay $0x4  }
0xcb: {  	[tilespmem:v7+s11+$0x0] =	vst.idx.msk $0xffff, v1  }
0xcc: {  	v7 =	vld [tilespmem:s20+$0xFFFFFF20];
	_ =	sdelay $0x4  }
0xcd: {  	v7 =	vadd.s32 v3, v7;
	_ =	sdelay $0x4  }
0xce: {  	[tilespmem:v7+s11+$0x0] =	vst.idx.msk $0xffff, v1  }
0xcf: {  	v7 =	vld [tilespmem:s20+$0xFFFFFF30];
	_ =	sdelay $0x4  }
0xd0: {  	v7 =	vadd.s32 v4, v7;
	_ =	sdelay $0x4  }
0xd1: {  	[tilespmem:v7+s11+$0x0] =	vst.idx.msk $0xffff, v1  }
0xd2: {  	v7 =	vld [tilespmem:s20+$0xFFFFFF40];
	_ =	sdelay $0x4  }
0xd3: {  	v7 =	vadd.s32 v5, v7;
	_ =	sdelay $0x4  }
0xd4: {  	[tilespmem:v7+s11+$0x0] =	vst.idx.msk $0xffff, v1  }
0xd5: {  	v7 =	vld [tilespmem:s20+$0xFFFFFF50];
	_ =	sdelay $0x4  }
0xd6: {  	v7 =	vadd.s32 v6, v7;
	_ =	sdelay $0x3  }
0xd7: {  	s30 =	sadd.s32 $0xFFFFFFFE, s19  }
0xd8: {  	p1 =	sge.u32 s30, s2;
	[tilespmem:v7+s11+$0x0] =	vst.idx.msk $0xffff, v1  }
0xd9: {  	v7 =	vld @!p1 [tilespmem:s20+$0x50];
	_ =	sdelay $0x1  }
0xda: {  	v8 =	vlaneseq.u32 @!p1  }
0xdb: {  	v8 =	vmul.u32 @!p1 $0x80, v8;
	_ =	sdelay $0x1  }
0xdc: {  	v7 =	vadd.s32 @!p1 v8, v7;
	_ =	sdelay $0x3  }
0xdd: {  	v9 =	vimm.f32 @!p1 $1.000000000e+00;
	s22 =	simm.s32 @!p1 $0x2800  }
0xde: {  	[tilespmem:v7+s22+$0x0] =	vst.idx.msk @!p1 $0xffff, v9  }
0xdf: {  	v7 =	vld @!p1 [tilespmem:s20+$0x60];
	_ =	sdelay $0x3  }
0xe0: {  	v10 =	vor.u32 @!p1 $0x800, v8  }
0xe1: {  	v7 =	vadd.s32 @!p1 v10, v7;
	_ =	sdelay $0x4  }
0xe2: {  	[tilespmem:v7+s22+$0x0] =	vst.idx.msk @!p1 $0xffff, v9  }
0xe3: {  	v7 =	vld @!p1 [tilespmem:s20+$0x70];
	_ =	sdelay $0x3  }
0xe4: {  	v10 =	vor.u32 @!p1 $0x1000, v8  }
0xe5: {  	v7 =	vadd.s32 @!p1 v10, v7;
	_ =	sdelay $0x4  }
0xe6: {  	[tilespmem:v7+s22+$0x0] =	vst.idx.msk @!p1 $0xffff, v9  }
0xe7: {  	v7 =	vld @!p1 [tilespmem:s20+$0x80];
	_ =	sdelay $0x3  }
0xe8: {  	v10 =	vor.u32 @!p1 $0x1800, v8  }
0xe9: {  	v7 =	vadd.s32 @!p1 v10, v7;
	_ =	sdelay $0x4  }
0xea: {  	[tilespmem:v7+s22+$0x0] =	vst.idx.msk @!p1 $0xffff, v9  }
0xeb: {  	v7 =	vld @!p1 [tilespmem:s20+$0x90];
	_ =	sdelay $0x3  }
0xec: {  	v8 =	vor.u32 @!p1 $0x2000, v8  }
0xed: {  	v7 =	vadd.s32 @!p1 v8, v7;
	_ =	sdelay $0x4  }
0xee: {  	s23 =	sadd.s32 @!p1 $0xFFFFF600, s21;
	s24 =	simm.s32 @!p1 $0x0;
	[tilespmem:v7+s22+$0x0] =	vst.idx.msk @!p1 $0xffff, v9  }
0xef: {  	[hbm4b:s23+s24] =	stream.linear.scatter @!p1 [tilespmem:s22], [sflag:$0x3], $0x2800, $0x38;
	[tilespmem:$0xAC80] =	vst v63  }
0xf0: {  	_ =	swait.ge [sflag:s16], $0x2800  }
0xf1: {  	[sflag:s16] =	ssyncset.done $0x0  }
0xf2: {  	[sflag:s16] =	ssyncadd.s32 $0xFFFFD800  }
0xf3: {  	v7 =	vld [tilespmem:s20+$0xFFFFFF60];
	_ =	sdelay $0x4  }
0xf4: {  	v7 =	vadd.s32 v0, v7;
	_ =	sdelay $0x4  }
0xf5: {  	[tilespmem:v7+s12+$0x0] =	vst.idx.msk $0xffff, v1  }
0xf6: {  	v7 =	vld [tilespmem:s20+$0xFFFFFF70];
	_ =	sdelay $0x4  }
0xf7: {  	v7 =	vadd.s32 v3, v7;
	_ =	sdelay $0x4  }
0xf8: {  	[tilespmem:v7+s12+$0x0] =	vst.idx.msk $0xffff, v1  }
0xf9: {  	v7 =	vld [tilespmem:s20+$0xFFFFFF80];
	_ =	sdelay $0x4  }
0xfa: {  	v7 =	vadd.s32 v4, v7;
	_ =	sdelay $0x4  }
0xfb: {  	[tilespmem:v7+s12+$0x0] =	vst.idx.msk $0xffff, v1  }
0xfc: {  	v7 =	vld [tilespmem:s20+$0xFFFFFF90];
	_ =	sdelay $0x4  }
0xfd: {  	v7 =	vadd.s32 v5, v7;
	_ =	sdelay $0x4  }
0xfe: {  	[tilespmem:v7+s12+$0x0] =	vst.idx.msk $0xffff, v1  }
0xff: {  	v7 =	vld [tilespmem:s20+$0xFFFFFFA0];
	_ =	sdelay $0x4  }
0x100: {  	v7 =	vadd.s32 v6, v7;
	_ =	sdelay $0x3  }
0x101: {  	s31 =	sadd.s32 $0xFFFFFFFF, s19  }
0x102: {  	p1 =	sge.u32 s31, s2;
	[tilespmem:v7+s12+$0x0] =	vst.idx.msk $0xffff, v1  }
0x103: {  	v7 =	vld @!p1 [tilespmem:s20+$0xA0];
	_ =	sdelay $0x1  }
0x104: {  	v8 =	vlaneseq.u32 @!p1  }
0x105: {  	v8 =	vmul.u32 @!p1 $0x80, v8;
	_ =	sdelay $0x1  }
0x106: {  	v7 =	vadd.s32 @!p1 v8, v7;
	_ =	sdelay $0x3  }
0x107: {  	v9 =	vimm.f32 @!p1 $1.000000000e+00;
	s22 =	simm.s32 @!p1 $0x5000  }
0x108: {  	[tilespmem:v7+s22+$0x0] =	vst.idx.msk @!p1 $0xffff, v9  }
0x109: {  	v7 =	vld @!p1 [tilespmem:s20+$0xB0];
	_ =	sdelay $0x3  }
0x10a: {  	v10 =	vor.u32 @!p1 $0x800, v8  }
0x10b: {  	v7 =	vadd.s32 @!p1 v10, v7;
	_ =	sdelay $0x4  }
0x10c: {  	[tilespmem:v7+s22+$0x0] =	vst.idx.msk @!p1 $0xffff, v9  }
0x10d: {  	v7 =	vld @!p1 [tilespmem:s20+$0xC0];
	_ =	sdelay $0x3  }
0x10e: {  	v10 =	vor.u32 @!p1 $0x1000, v8  }
0x10f: {  	v7 =	vadd.s32 @!p1 v10, v7;
	_ =	sdelay $0x4  }
0x110: {  	[tilespmem:v7+s22+$0x0] =	vst.idx.msk @!p1 $0xffff, v9  }
0x111: {  	v7 =	vld @!p1 [tilespmem:s20+$0xD0];
	_ =	sdelay $0x3  }
0x112: {  	v10 =	vor.u32 @!p1 $0x1800, v8  }
0x113: {  	v7 =	vadd.s32 @!p1 v10, v7;
	_ =	sdelay $0x4  }
0x114: {  	[tilespmem:v7+s22+$0x0] =	vst.idx.msk @!p1 $0xffff, v9  }
0x115: {  	v7 =	vld @!p1 [tilespmem:s20+$0xE0];
	_ =	sdelay $0x3  }
0x116: {  	v8 =	vor.u32 @!p1 $0x2000, v8  }
0x117: {  	v7 =	vadd.s32 @!p1 v8, v7;
	_ =	sdelay $0x4  }
0x118: {  	s23 =	sadd.s32 @!p1 $0xFFFFFB00, s21;
	s24 =	simm.s32 @!p1 $0x0;
	[tilespmem:v7+s22+$0x0] =	vst.idx.msk @!p1 $0xffff, v9  }
0x119: {  	[hbm4b:s23+s24] =	stream.linear.scatter @!p1 [tilespmem:s22], [sflag:$0x4], $0x2800, $0x38;
	[tilespmem:$0xAC80] =	vst v63  }
0x11a: {  	_ =	swait.ge [sflag:s17], $0x2800  }
0x11b: {  	[sflag:s17] =	ssyncset.done $0x0  }
0x11c: {  	[sflag:s17] =	ssyncadd.s32 $0xFFFFD800  }
0x11d: {  	v7 =	vld [tilespmem:s20+$0xFFFFFFB0];
	_ =	sdelay $0x4  }
0x11e: {  	v7 =	vadd.s32 v0, v7;
	_ =	sdelay $0x4  }
0x11f: {  	[tilespmem:v7+s13+$0x0] =	vst.idx.msk $0xffff, v1  }
0x120: {  	v7 =	vld [tilespmem:s20+$0xFFFFFFC0];
	_ =	sdelay $0x4  }
0x121: {  	v7 =	vadd.s32 v3, v7;
	_ =	sdelay $0x4  }
0x122: {  	[tilespmem:v7+s13+$0x0] =	vst.idx.msk $0xffff, v1  }
0x123: {  	v7 =	vld [tilespmem:s20+$0xFFFFFFD0];
	_ =	sdelay $0x4  }
0x124: {  	v7 =	vadd.s32 v4, v7;
	_ =	sdelay $0x4  }
0x125: {  	[tilespmem:v7+s13+$0x0] =	vst.idx.msk $0xffff, v1  }
0x126: {  	v7 =	vld [tilespmem:s20+$0xFFFFFFE0];
	_ =	sdelay $0x4  }
0x127: {  	v7 =	vadd.s32 v5, v7;
	_ =	sdelay $0x4  }
0x128: {  	[tilespmem:v7+s13+$0x0] =	vst.idx.msk $0xffff, v1  }
0x129: {  	v7 =	vld [tilespmem:s20+$0xFFFFFFF0];
	_ =	sdelay $0x4  }
0x12a: {  	v7 =	vadd.s32 v6, v7;
	_ =	sdelay $0x4  }
0x12b: {  	p1 =	sge.u32 s19, s2;
	[tilespmem:v7+s13+$0x0] =	vst.idx.msk $0xffff, v1  }
0x12c: {  	v7 =	vld @!p1 [tilespmem:s20+$0xF0];
	_ =	sdelay $0x1  }
0x12d: {  	v8 =	vlaneseq.u32 @!p1  }
0x12e: {  	v8 =	vmul.u32 @!p1 $0x80, v8;
	_ =	sdelay $0x1  }
0x12f: {  	v7 =	vadd.s32 @!p1 v8, v7;
	_ =	sdelay $0x3  }
0x130: {  	v9 =	vimm.f32 @!p1 $1.000000000e+00;
	s22 =	simm.s32 @!p1 $0x7800  }
0x131: {  	[tilespmem:v7+s22+$0x0] =	vst.idx.msk @!p1 $0xffff, v9  }
0x132: {  	v7 =	vld @!p1 [tilespmem:s20+$0x100];
	_ =	sdelay $0x3  }
0x133: {  	v10 =	vor.u32 @!p1 $0x800, v8  }
0x134: {  	v7 =	vadd.s32 @!p1 v10, v7;
	_ =	sdelay $0x4  }
0x135: {  	[tilespmem:v7+s22+$0x0] =	vst.idx.msk @!p1 $0xffff, v9  }
0x136: {  	v7 =	vld @!p1 [tilespmem:s20+$0x110];
	_ =	sdelay $0x3  }
0x137: {  	v10 =	vor.u32 @!p1 $0x1000, v8  }
0x138: {  	v7 =	vadd.s32 @!p1 v10, v7;
	_ =	sdelay $0x4  }
0x139: {  	[tilespmem:v7+s22+$0x0] =	vst.idx.msk @!p1 $0xffff, v9  }
0x13a: {  	v7 =	vld @!p1 [tilespmem:s20+$0x120];
	_ =	sdelay $0x3  }
0x13b: {  	v10 =	vor.u32 @!p1 $0x1800, v8  }
0x13c: {  	v7 =	vadd.s32 @!p1 v10, v7;
	_ =	sdelay $0x4  }
0x13d: {  	[tilespmem:v7+s22+$0x0] =	vst.idx.msk @!p1 $0xffff, v9  }
0x13e: {  	v7 =	vld @!p1 [tilespmem:s20+$0x130];
	_ =	sdelay $0x3  }
0x13f: {  	v8 =	vor.u32 @!p1 $0x2000, v8  }
0x140: {  	v7 =	vadd.s32 @!p1 v8, v7;
	_ =	sdelay $0x4  }
0x141: {  	s19 =	sadd.s32 $0x4, s19;
	s23 =	simm.s32 @!p1 $0x0;
	[tilespmem:v7+s22+$0x0] =	vst.idx.msk @!p1 $0xffff, v9  }
0x142: {  	[hbm4b:s21+s23] =	stream.linear.scatter @!p1 [tilespmem:s22], [sflag:$0x5], $0x2800, $0x38;
	[tilespmem:$0xAC80] =	vst v63  }
0x143: {  	p1 =	sne.s32 s19, $0x2B  }
.Ltmp4:
0x144: {  	_ = 	snop;
	(pc) =	sbr.rel @p1 .LBB2_10-.Ltmp4, $2  }
0x145: {  	_ =	sdelay $0x2  }
0x146: {  	s20 =	sadd.s32 $0x140, s20;
	s21 =	sadd.s32 $0x1400, s21  }
0x147: {  	_ =	swait.ge [sflag:s14], $0x2800  }
0x148: {  	[sflag:s14] =	ssyncset.done $0x0  }
0x149: {  	[sflag:s14] =	ssyncadd.s32 $0xFFFFD800  }
0x14a: {  	_ =	swait.ge [sflag:s15], $0x2800  }
0x14b: {  	[sflag:s15] =	ssyncset.done $0x0  }
0x14c: {  	s18 =	sadd.s32 $0x1, s18;
	[sflag:s15] =	ssyncadd.s32 $0xFFFFD800  }
0x14d: {  	p1 =	sne.s32 s18, s9;
	_ =	swait.ge [sflag:s16], $0x2800  }
.Ltmp5:
0x14e: {  	[sflag:s16] =	ssyncset.done $0x0;
	(pc) =	sbr.rel @p1 .LBB2_1-.Ltmp5, $4  }
0x14f: {  	s19 =	simm.s32 @!p0 $0x5;
	[sflag:s16] =	ssyncadd.s32 $0xFFFFD800  }
0x150: {  	_ =	swait.ge @!p0 [sflag:s19], $0x2800  }
0x151: {  	[sflag:s19] =	ssyncset.done @!p0 $0x0  }
0x152: {  	[sflag:s19] =	ssyncadd.s32 @!p0 $0xFFFFD800  }
0x153: {  	_ =	sfence.sel $0x180000  }
0x154: {  	[bflag:$0x0] =	sbarrier.arrive $0xFFFF  }
0x155: {  	_ =	strace $0x90000047  }
0x156: {  	s0 =	sadd.s32 @!p0 $0x100000, s0;
	[bflag:$0x2] =	sbarrier.arrive $0xFFFF  }
0x157: {  	[sflag:s0] =	ssyncadd.tile.s32 @!p0 $0x1;
	_ =	shalt  }
.Lfunc_end2:
_tile_overlayer_lowered:
.L_overlay_start_2:
0x158: {  	(tag) =	ssettag $0x2  }
0x159: {  	s0 =	rddreg [dreg:$0x0];
	s2 =	stileid.u32  }
0x15a: {  	s1 =	rddreg [dreg:$0x1];
	p0 =	sne.s32 s2, $0x0  }
0x15b: {  	s3 =	rddreg [dreg:$0x2];
	[bflag:$0x3] =	sbarrier.arrive $0xFFFF;
	s2 =	simm.s32 @!p0 $0x1C06  }
0x15c: {  	[timem:s3], [sflag:s2] =	dma.local @!p0 [hbm:s0], s1  }
0x15d: {  	s0 =	simm.s32 @!p0 $0x6  }
0x15e: {  	_ =	swait.ge @!p0 [sflag:s0], s1  }
0x15f: {  	s1 =	ssub.s32 @!p0 $0x0, s1;
	[sflag:s0] =	ssyncset.done @!p0 $0x0  }
0x160: {  	[sflag:s0] =	ssyncadd.s32 @!p0 s1  }
0x161: {  	[bflag:$0x3] =	sbarrier.arrive $0xFFFF  }
0x162: {  	_ =	shalt  }

</sc_bundles>
